<compile_context>
chip_gen: v7x
topology: tpu7x:2x2x1
jax: 0.10.2.dev20260603
libtpu: 0.0.44.dev20260713+nightly
codegen_flags: <defaults>
</compile_context>

<pallas_src>
import functools

import jax
import jax.numpy as jnp
from jax import lax
from jax.experimental import pallas as pl
from jax.experimental.pallas import tpu as pltpu
from jax.experimental.pallas import tpu_sc as plsc

_L = 16


def _build_sc_call(B, S, D):
    mesh = plsc.VectorSubcoreMesh(core_axis_name="c", subcore_axis_name="s",
                                  num_cores=1)
    n_sub = 16
    per_batch = n_sub // B
    chunk = S // per_batch

    @functools.partial(
        pl.kernel,
        mesh=mesh,
        out_type=jax.ShapeDtypeStruct((B, 2 * D), jnp.float32),
        scratch_types=[
            pltpu.VMEM((chunk,), jnp.int32),
            pltpu.VMEM((chunk,), jnp.int32),
            pltpu.VMEM((D,), jnp.float32),
            pltpu.VMEM((D,), jnp.float32),
            pltpu.SMEM((1,), jnp.int32),
            pltpu.SemaphoreType.DMA,
            pltpu.SemaphoreType.DMA,
            pltpu.SemaphoreType.DMA,
            pltpu.SemaphoreType.DMA,
        ],
    )
    def sc_kernel(x_hbm, am_hbm, tt_hbm, out_hbm,
                  am_v, tt_v, cls_v, sep_v, count_s,
                  sem_am, sem_tt, sem_cls, sem_sep):
        wid = lax.axis_index("s")
        b = wid // per_batch
        q = lax.rem(wid, per_batch)
        leader_wid = b * per_batch
        is_leader = q == 0
        is_cls = q == 1

        cp_am = pltpu.async_copy(am_hbm.at[b, pl.ds(q * chunk, chunk)],
                                 am_v, sem_am)
        cp_tt = pltpu.async_copy(tt_hbm.at[b, pl.ds(q * chunk, chunk)],
                                 tt_v, sem_tt)

        @pl.when(is_cls)
        def _():
            pltpu.async_copy(x_hbm.at[b, 0], cls_v, sem_cls)

        @pl.when(is_leader)
        def _():
            count_s[0] = 0
        plsc.subcore_barrier()

        cp_am.wait()
        cp_tt.wait()

        nvec = chunk // _L
        acc = [jnp.zeros((_L,), jnp.int32) for _ in range(4)]
        for i in range(0, nvec, 4):
            for j in range(4):
                a = am_v[pl.ds((i + j) * _L, _L)]
                t = tt_v[pl.ds((i + j) * _L, _L)]
                acc[j] = acc[j] + (a ^ t)
        accv = acc[0] + acc[1] + acc[2] + acc[3]
        lanes = lax.iota(jnp.int32, _L)
        for shift in (8, 4, 2, 1):
            accv = accv + lax.gather(
                accv, (lanes ^ shift).reshape(_L, 1),
                lax.GatherDimensionNumbers(offset_dims=(),
                                           collapsed_slice_dims=(0,),
                                           start_index_map=(0,)),
                slice_sizes=(1,),
                mode=lax.GatherScatterMode.PROMISE_IN_BOUNDS)
        partial = accv[0]
        tagged = (partial << 4) + 1
        old = plsc.fetch_and_add(count_s.at[0], tagged, subcore_id=leader_wid)
        is_last = (old & 15) == per_batch - 1

        @pl.when(is_cls)
        def _():
            pltpu.make_async_copy(x_hbm.at[b, 0], cls_v, sem_cls).wait()
            pltpu.sync_copy(cls_v, out_hbm.at[b, pl.ds(0, D)])

        @pl.when(is_last)
        def _():
            total = (old + tagged) >> 4
            sep = total - 1
            sep = jnp.where(sep < 0, sep + S, sep)

            pltpu.async_copy(x_hbm.at[b, sep], sep_v, sem_sep).wait()
            pltpu.sync_copy(sep_v, out_hbm.at[b, pl.ds(D, D)])

    return sc_kernel


def kernel(x, attention_mask, token_type_ids):
    B, S, D = x.shape
    am = attention_mask.astype(jnp.int32)
    tt = token_type_ids.astype(jnp.int32)
    return _build_sc_call(B, S, D)(x, am, tt)

# --- scband reference (transcript-rebuilt; emitter-appended) ---
"""Pipeline reference for scband-cls-sep-concat-39135742001793 (READ-ONLY COPY).

The authoritative reference and input builder live on the scoring server;
editing this copy changes nothing except your own understanding.
"""

import jax, jax.numpy as jnp
import numpy as np


def setup_inputs(seed: int = 0) -> dict:
    key = jax.random.key(seed)
    k1, k2, k3 = jax.random.split(key, 3)
    B, S, D = 4, 4096, 1024
    x = jax.random.normal(k1, (B, S, D), dtype=jnp.float32)
    attention_mask = jax.random.randint(k2, (B, S), 0, 2)
    token_type_ids = jax.random.randint(k3, (B, S), 0, 2)
    return {"x": x, "attention_mask": attention_mask, "token_type_ids": token_type_ids}


def reference(x, attention_mask, token_type_ids):
    # SEP index per batch: number of positions where token_type_ids != attention_mask, minus 1
    sep_idx = jnp.sum(token_type_ids != attention_mask, axis=-1) - 1  # [B]
    batch_idx = jnp.arange(x.shape[0])  # [B]
    CLS = x[:, 0, :]  # [B, D]
    SEP = x[batch_idx, sep_idx]  # [B, D] (advanced-index gather; negative idx wraps like torch)
    return jnp.concatenate((CLS, SEP), axis=-1)  # [B, 2*D]

if __name__ == "__main__":
    import jax
    _d = setup_inputs()
    print(jax.jit(kernel)(*tuple(_d.values())))

</pallas_src>

<mosaic_0001>
#map = affine_map<(d0, d1) -> (0, 0, 0)>
#map1 = affine_map<(d0, d1) -> (0, 0)>
module attributes {stable_mosaic.version = 14 : i64} {
  func.func @sc_kernel(%arg0: i32, %arg1: i32, %arg2: memref<4x4096x1024xf32, #tpu.memory_space<hbm>>, %arg3: memref<4x4096xi32, #tpu.memory_space<hbm>>, %arg4: memref<4x4096xi32, #tpu.memory_space<hbm>>, %arg5: memref<4x2048xf32, #tpu.memory_space<hbm>>, %arg6: memref<1024xi32, #tpu.memory_space<vmem>>, %arg7: memref<1024xi32, #tpu.memory_space<vmem>>, %arg8: memref<1024xf32, #tpu.memory_space<vmem>>, %arg9: memref<1024xf32, #tpu.memory_space<vmem>>, %arg10: memref<1xi32, #tpu.memory_space<smem>>, %arg11: memref<!tpu.dma_semaphore, #tpu.memory_space<semaphore_mem>>, %arg12: memref<!tpu.dma_semaphore, #tpu.memory_space<semaphore_mem>>, %arg13: memref<!tpu.dma_semaphore, #tpu.memory_space<semaphore_mem>>, %arg14: memref<!tpu.dma_semaphore, #tpu.memory_space<semaphore_mem>>) attributes {dimension_semantics = [#tpu.dimension_semantics<core_parallel>, #tpu.dimension_semantics<subcore_parallel>], iteration_bounds = array<i64: 1, 16>, scalar_prefetch = 0 : i64, scratch_operands = 9 : i64, tpu.core_type = #tpu.core_type<sc_vector_subcore>, window_params = [{transform_indices = #map}, {transform_indices = #map1}, {transform_indices = #map1}, {transform_indices = #map1}]} {
    %jit3A = arith.constant 4 : i32
    %div3A = arith.divsi %arg1, %jit3A : i32
    %sign3A = arith.constant 0 : i32
    %sign3A_0 = arith.cmpi sgt, %arg1, %sign3A : i32
    %sign3A_1 = arith.extui %sign3A_0 : i1 to i32
    %sign3A_2 = arith.constant 0 : i32
    %sign3A_3 = arith.cmpi slt, %arg1, %sign3A_2 : i32
    %sign3A_4 = arith.extui %sign3A_3 : i1 to i32
    %sign3A_5 = arith.subi %sign3A_1, %sign3A_4 : i32
    %sign3A_6 = arith.constant 0 : i32
    %sign3A_7 = arith.cmpi sgt, %jit3A, %sign3A_6 : i32
    %sign3A_8 = arith.extui %sign3A_7 : i1 to i32
    %sign3A_9 = arith.constant 0 : i32
    %sign3A_10 = arith.cmpi slt, %jit3A, %sign3A_9 : i32
    %sign3A_11 = arith.extui %sign3A_10 : i1 to i32
    %sign3A_12 = arith.subi %sign3A_8, %sign3A_11 : i32
    %ne3A = arith.cmpi ne, %sign3A_5, %sign3A_12 : i32
    %rem3A = arith.remsi %arg1, %jit3A : i32
    %ne3A_13 = arith.constant 0 : i32
    %ne3A_14 = arith.cmpi ne, %rem3A, %ne3A_13 : i32
    %and3A = arith.andi %ne3A, %ne3A_14 : i1
    %sub3A = arith.constant 1 : i32
    %sub3A_15 = arith.subi %div3A, %sub3A : i32
    %select_n3A = arith.select %and3A, %sub3A_15, %div3A : i32
    %rem3A_16 = arith.constant 4 : i32
    %rem3A_17 = arith.remsi %arg1, %rem3A_16 : i32
    %mul3A = arith.constant 4 : i32
    %mul3A_18 = arith.muli %select_n3A, %mul3A : i32
    %eq3A = arith.constant 0 : i32
    %eq3A_19 = arith.cmpi eq, %rem3A_17, %eq3A : i32
    %eq3A_20 = arith.constant 1 : i32
    %eq3A_21 = arith.cmpi eq, %rem3A_17, %eq3A_20 : i32
    %mul3A_22 = arith.constant 1024 : i32
    %mul3A_23 = arith.muli %rem3A_17, %mul3A_22 : i32
    %dma_start3A = tpu.memref_slice %arg3[%select_n3A, %mul3A_23] : memref<4x4096xi32, #tpu.memory_space<hbm>> -> memref<1x1024xi32, #tpu.memory_space<hbm>>
    %dma_start3A_24 = tpu.memref_squeeze %dma_start3A : memref<1x1024xi32, #tpu.memory_space<hbm>> -> memref<1024xi32, #tpu.memory_space<hbm>>
    %dma_start3A_25 = tpu.memref_slice %arg3[%select_n3A, %mul3A_23] : memref<4x4096xi32, #tpu.memory_space<hbm>> -> memref<1x1024xi32, #tpu.memory_space<hbm>>
    %dma_start3A_26 = tpu.memref_squeeze %dma_start3A_25 : memref<1x1024xi32, #tpu.memory_space<hbm>> -> memref<1024xi32, #tpu.memory_space<hbm>>
    tpu.enqueue_dma source(%dma_start3A_26 : memref<1024xi32, #tpu.memory_space<hbm>>) target(%arg6 : memref<1024xi32, #tpu.memory_space<vmem>>) target_semaphore(%arg11 : memref<!tpu.dma_semaphore, #tpu.memory_space<semaphore_mem>>)
    %mul3A_27 = arith.constant 1024 : i32
    %mul3A_28 = arith.muli %rem3A_17, %mul3A_27 : i32
    %dma_start3A_29 = tpu.memref_slice %arg4[%select_n3A, %mul3A_28] : memref<4x4096xi32, #tpu.memory_space<hbm>> -> memref<1x1024xi32, #tpu.memory_space<hbm>>
    %dma_start3A_30 = tpu.memref_squeeze %dma_start3A_29 : memref<1x1024xi32, #tpu.memory_space<hbm>> -> memref<1024xi32, #tpu.memory_space<hbm>>
    %dma_start3A_31 = tpu.memref_slice %arg4[%select_n3A, %mul3A_28] : memref<4x4096xi32, #tpu.memory_space<hbm>> -> memref<1x1024xi32, #tpu.memory_space<hbm>>
    %dma_start3A_32 = tpu.memref_squeeze %dma_start3A_31 : memref<1x1024xi32, #tpu.memory_space<hbm>> -> memref<1024xi32, #tpu.memory_space<hbm>>
    tpu.enqueue_dma source(%dma_start3A_32 : memref<1024xi32, #tpu.memory_space<hbm>>) target(%arg7 : memref<1024xi32, #tpu.memory_space<vmem>>) target_semaphore(%arg12 : memref<!tpu.dma_semaphore, #tpu.memory_space<semaphore_mem>>)
    %convert_element_type3A = arith.extui %eq3A_21 : i1 to i32
    %cond3A = arith.constant 0 : i32
    %cond3A_33 = arith.cmpi ne, %convert_element_type3A, %cond3A : i32
    scf.if %cond3A_33 {
      %dma_start3A_603 = arith.constant 0 : i32
      %dma_start3A_604 = arith.constant 0 : i32
      %dma_start3A_605 = tpu.memref_slice %arg2[%select_n3A, %dma_start3A_603, %dma_start3A_604] : memref<4x4096x1024xf32, #tpu.memory_space<hbm>> -> memref<1x1x1024xf32, #tpu.memory_space<hbm>>
      %dma_start3A_606 = tpu.memref_squeeze %dma_start3A_605 : memref<1x1x1024xf32, #tpu.memory_space<hbm>> -> memref<1024xf32, #tpu.memory_space<hbm>>
      %dma_start3A_607 = arith.constant 0 : i32
      %dma_start3A_608 = tpu.memref_slice %arg2[%select_n3A, %dma_start3A_603, %dma_start3A_607] : memref<4x4096x1024xf32, #tpu.memory_space<hbm>> -> memref<1x1x1024xf32, #tpu.memory_space<hbm>>
      %dma_start3A_609 = tpu.memref_squeeze %dma_start3A_608 : memref<1x1x1024xf32, #tpu.memory_space<hbm>> -> memref<1024xf32, #tpu.memory_space<hbm>>
      tpu.enqueue_dma source(%dma_start3A_609 : memref<1024xf32, #tpu.memory_space<hbm>>) target(%arg8 : memref<1024xf32, #tpu.memory_space<vmem>>) target_semaphore(%arg13 : memref<!tpu.dma_semaphore, #tpu.memory_space<semaphore_mem>>)
    } else {
    }
    %convert_element_type3A_34 = arith.extui %eq3A_19 : i1 to i32
    %cond3A_35 = arith.constant 0 : i32
    %cond3A_36 = arith.cmpi ne, %convert_element_type3A_34, %cond3A_35 : i32
    scf.if %cond3A_36 {
      %swap3A = arith.constant 0 : i32
      %swap3A_603 = arith.constant 0 : i32
      %swap3A_604 = arith.index_cast %swap3A_603 : i32 to index
      %swap3A_605 = memref.load %arg10[%swap3A_604] : memref<1xi32, #tpu.memory_space<smem>>
      memref.store %swap3A, %arg10[%swap3A_604] : memref<1xi32, #tpu.memory_space<smem>>
    } else {
    }
    %barrier3A = arith.constant 0 : index
    tpu.barrier barrier_id(%barrier3A)
    %dma_wait3A = tpu.memref_slice %arg3[%select_n3A, %mul3A_23] : memref<4x4096xi32, #tpu.memory_space<hbm>> -> memref<1x1024xi32, #tpu.memory_space<hbm>>
    %dma_wait3A_37 = tpu.memref_squeeze %dma_wait3A : memref<1x1024xi32, #tpu.memory_space<hbm>> -> memref<1024xi32, #tpu.memory_space<hbm>>
    %dma_wait3A_38 = tpu.memref_slice %arg3[%select_n3A, %mul3A_23] : memref<4x4096xi32, #tpu.memory_space<hbm>> -> memref<1x1024xi32, #tpu.memory_space<hbm>>
    %dma_wait3A_39 = tpu.memref_squeeze %dma_wait3A_38 : memref<1x1024xi32, #tpu.memory_space<hbm>> -> memref<1024xi32, #tpu.memory_space<hbm>>
    tpu.wait_dma2 semaphore(%arg11 : memref<!tpu.dma_semaphore, #tpu.memory_space<semaphore_mem>>) src(%dma_wait3A_39 : memref<1024xi32, #tpu.memory_space<hbm>>) dst(%arg6 : memref<1024xi32, #tpu.memory_space<vmem>>)
    %dma_wait3A_40 = tpu.memref_slice %arg4[%select_n3A, %mul3A_28] : memref<4x4096xi32, #tpu.memory_space<hbm>> -> memref<1x1024xi32, #tpu.memory_space<hbm>>
    %dma_wait3A_41 = tpu.memref_squeeze %dma_wait3A_40 : memref<1x1024xi32, #tpu.memory_space<hbm>> -> memref<1024xi32, #tpu.memory_space<hbm>>
    %dma_wait3A_42 = tpu.memref_slice %arg4[%select_n3A, %mul3A_28] : memref<4x4096xi32, #tpu.memory_space<hbm>> -> memref<1x1024xi32, #tpu.memory_space<hbm>>
    %dma_wait3A_43 = tpu.memref_squeeze %dma_wait3A_42 : memref<1x1024xi32, #tpu.memory_space<hbm>> -> memref<1024xi32, #tpu.memory_space<hbm>>
    tpu.wait_dma2 semaphore(%arg12 : memref<!tpu.dma_semaphore, #tpu.memory_space<semaphore_mem>>) src(%dma_wait3A_43 : memref<1024xi32, #tpu.memory_space<hbm>>) dst(%arg7 : memref<1024xi32, #tpu.memory_space<vmem>>)
    %broadcast_in_dim3A = arith.constant 0 : i32
    %broadcast_in_dim3A_44 = vector.broadcast %broadcast_in_dim3A : i32 to vector<16xi32>
    %broadcast_in_dim3A_45 = arith.constant 0 : i32
    %broadcast_in_dim3A_46 = vector.broadcast %broadcast_in_dim3A_45 : i32 to vector<16xi32>
    %broadcast_in_dim3A_47 = arith.constant 0 : i32
    %broadcast_in_dim3A_48 = vector.broadcast %broadcast_in_dim3A_47 : i32 to vector<16xi32>
    %broadcast_in_dim3A_49 = arith.constant 0 : i32
    %broadcast_in_dim3A_50 = vector.broadcast %broadcast_in_dim3A_49 : i32 to vector<16xi32>
    %get3A = arith.constant 0 : index
    %get3A_51 = tpu.vector_load %arg6[%get3A] {strides = array<i32>} : memref<1024xi32, #tpu.memory_space<vmem>>, vector<16xi32>,
    %get3A_52 = vector.shape_cast %get3A_51 : vector<16xi32> to vector<16xi32>
    %get3A_53 = arith.constant 0 : index
    %get3A_54 = tpu.vector_load %arg7[%get3A_53] {strides = array<i32>} : memref<1024xi32, #tpu.memory_space<vmem>>, vector<16xi32>,
    %get3A_55 = vector.shape_cast %get3A_54 : vector<16xi32> to vector<16xi32>
    %xor3A = arith.xori %get3A_52, %get3A_55 : vector<16xi32>
    %add3A = arith.addi %broadcast_in_dim3A_44, %xor3A : vector<16xi32>
    %get3A_56 = arith.constant 16 : index
    %get3A_57 = tpu.vector_load %arg6[%get3A_56] {strides = array<i32>} : memref<1024xi32, #tpu.memory_space<vmem>>, vector<16xi32>,
    %get3A_58 = vector.shape_cast %get3A_57 : vector<16xi32> to vector<16xi32>
    %get3A_59 = arith.constant 16 : index
    %get3A_60 = tpu.vector_load %arg7[%get3A_59] {strides = array<i32>} : memref<1024xi32, #tpu.memory_space<vmem>>, vector<16xi32>,
    %get3A_61 = vector.shape_cast %get3A_60 : vector<16xi32> to vector<16xi32>
    %xor3A_62 = arith.xori %get3A_58, %get3A_61 : vector<16xi32>
    %add3A_63 = arith.addi %broadcast_in_dim3A_46, %xor3A_62 : vector<16xi32>
    %get3A_64 = arith.constant 32 : index
    %get3A_65 = tpu.vector_load %arg6[%get3A_64] {strides = array<i32>} : memref<1024xi32, #tpu.memory_space<vmem>>, vector<16xi32>,
    %get3A_66 = vector.shape_cast %get3A_65 : vector<16xi32> to vector<16xi32>
    %get3A_67 = arith.constant 32 : index
    %get3A_68 = tpu.vector_load %arg7[%get3A_67] {strides = array<i32>} : memref<1024xi32, #tpu.memory_space<vmem>>, vector<16xi32>,
    %get3A_69 = vector.shape_cast %get3A_68 : vector<16xi32> to vector<16xi32>
    %xor3A_70 = arith.xori %get3A_66, %get3A_69 : vector<16xi32>
    %add3A_71 = arith.addi %broadcast_in_dim3A_48, %xor3A_70 : vector<16xi32>
    %get3A_72 = arith.constant 48 : index
    %get3A_73 = tpu.vector_load %arg6[%get3A_72] {strides = array<i32>} : memref<1024xi32, #tpu.memory_space<vmem>>, vector<16xi32>,
    %get3A_74 = vector.shape_cast %get3A_73 : vector<16xi32> to vector<16xi32>
    %get3A_75 = arith.constant 48 : index
    %get3A_76 = tpu.vector_load %arg7[%get3A_75] {strides = array<i32>} : memref<1024xi32, #tpu.memory_space<vmem>>, vector<16xi32>,
    %get3A_77 = vector.shape_cast %get3A_76 : vector<16xi32> to vector<16xi32>
    %xor3A_78 = arith.xori %get3A_74, %get3A_77 : vector<16xi32>
    %add3A_79 = arith.addi %broadcast_in_dim3A_50, %xor3A_78 : vector<16xi32>
    %get3A_80 = arith.constant 64 : index
    %get3A_81 = tpu.vector_load %arg6[%get3A_80] {strides = array<i32>} : memref<1024xi32, #tpu.memory_space<vmem>>, vector<16xi32>,
    %get3A_82 = vector.shape_cast %get3A_81 : vector<16xi32> to vector<16xi32>
    %get3A_83 = arith.constant 64 : index
    %get3A_84 = tpu.vector_load %arg7[%get3A_83] {strides = array<i32>} : memref<1024xi32, #tpu.memory_space<vmem>>, vector<16xi32>,
    %get3A_85 = vector.shape_cast %get3A_84 : vector<16xi32> to vector<16xi32>
    %xor3A_86 = arith.xori %get3A_82, %get3A_85 : vector<16xi32>
    %add3A_87 = arith.addi %add3A, %xor3A_86 : vector<16xi32>
    %get3A_88 = arith.constant 80 : index
    %get3A_89 = tpu.vector_load %arg6[%get3A_88] {strides = array<i32>} : memref<1024xi32, #tpu.memory_space<vmem>>, vector<16xi32>,
    %get3A_90 = vector.shape_cast %get3A_89 : vector<16xi32> to vector<16xi32>
    %get3A_91 = arith.constant 80 : index
    %get3A_92 = tpu.vector_load %arg7[%get3A_91] {strides = array<i32>} : memref<1024xi32, #tpu.memory_space<vmem>>, vector<16xi32>,
    %get3A_93 = vector.shape_cast %get3A_92 : vector<16xi32> to vector<16xi32>
    %xor3A_94 = arith.xori %get3A_90, %get3A_93 : vector<16xi32>
    %add3A_95 = arith.addi %add3A_63, %xor3A_94 : vector<16xi32>
    %get3A_96 = arith.constant 96 : index
    %get3A_97 = tpu.vector_load %arg6[%get3A_96] {strides = array<i32>} : memref<1024xi32, #tpu.memory_space<vmem>>, vector<16xi32>,
    %get3A_98 = vector.shape_cast %get3A_97 : vector<16xi32> to vector<16xi32>
    %get3A_99 = arith.constant 96 : index
    %get3A_100 = tpu.vector_load %arg7[%get3A_99] {strides = array<i32>} : memref<1024xi32, #tpu.memory_space<vmem>>, vector<16xi32>,
    %get3A_101 = vector.shape_cast %get3A_100 : vector<16xi32> to vector<16xi32>
    %xor3A_102 = arith.xori %get3A_98, %get3A_101 : vector<16xi32>
    %add3A_103 = arith.addi %add3A_71, %xor3A_102 : vector<16xi32>
    %get3A_104 = arith.constant 112 : index
    %get3A_105 = tpu.vector_load %arg6[%get3A_104] {strides = array<i32>} : memref<1024xi32, #tpu.memory_space<vmem>>, vector<16xi32>,
    %get3A_106 = vector.shape_cast %get3A_105 : vector<16xi32> to vector<16xi32>
    %get3A_107 = arith.constant 112 : index
    %get3A_108 = tpu.vector_load %arg7[%get3A_107] {strides = array<i32>} : memref<1024xi32, #tpu.memory_space<vmem>>, vector<16xi32>,
    %get3A_109 = vector.shape_cast %get3A_108 : vector<16xi32> to vector<16xi32>
    %xor3A_110 = arith.xori %get3A_106, %get3A_109 : vector<16xi32>
    %add3A_111 = arith.addi %add3A_79, %xor3A_110 : vector<16xi32>
    %get3A_112 = arith.constant 128 : index
    %get3A_113 = tpu.vector_load %arg6[%get3A_112] {strides = array<i32>} : memref<1024xi32, #tpu.memory_space<vmem>>, vector<16xi32>,
    %get3A_114 = vector.shape_cast %get3A_113 : vector<16xi32> to vector<16xi32>
    %get3A_115 = arith.constant 128 : index
    %get3A_116 = tpu.vector_load %arg7[%get3A_115] {strides = array<i32>} : memref<1024xi32, #tpu.memory_space<vmem>>, vector<16xi32>,
    %get3A_117 = vector.shape_cast %get3A_116 : vector<16xi32> to vector<16xi32>
    %xor3A_118 = arith.xori %get3A_114, %get3A_117 : vector<16xi32>
    %add3A_119 = arith.addi %add3A_87, %xor3A_118 : vector<16xi32>
    %get3A_120 = arith.constant 144 : index
    %get3A_121 = tpu.vector_load %arg6[%get3A_120] {strides = array<i32>} : memref<1024xi32, #tpu.memory_space<vmem>>, vector<16xi32>,
    %get3A_122 = vector.shape_cast %get3A_121 : vector<16xi32> to vector<16xi32>
    %get3A_123 = arith.constant 144 : index
    %get3A_124 = tpu.vector_load %arg7[%get3A_123] {strides = array<i32>} : memref<1024xi32, #tpu.memory_space<vmem>>, vector<16xi32>,
    %get3A_125 = vector.shape_cast %get3A_124 : vector<16xi32> to vector<16xi32>
    %xor3A_126 = arith.xori %get3A_122, %get3A_125 : vector<16xi32>
    %add3A_127 = arith.addi %add3A_95, %xor3A_126 : vector<16xi32>
    %get3A_128 = arith.constant 160 : index
    %get3A_129 = tpu.vector_load %arg6[%get3A_128] {strides = array<i32>} : memref<1024xi32, #tpu.memory_space<vmem>>, vector<16xi32>,
    %get3A_130 = vector.shape_cast %get3A_129 : vector<16xi32> to vector<16xi32>
    %get3A_131 = arith.constant 160 : index
    %get3A_132 = tpu.vector_load %arg7[%get3A_131] {strides = array<i32>} : memref<1024xi32, #tpu.memory_space<vmem>>, vector<16xi32>,
    %get3A_133 = vector.shape_cast %get3A_132 : vector<16xi32> to vector<16xi32>
    %xor3A_134 = arith.xori %get3A_130, %get3A_133 : vector<16xi32>
    %add3A_135 = arith.addi %add3A_103, %xor3A_134 : vector<16xi32>
    %get3A_136 = arith.constant 176 : index
    %get3A_137 = tpu.vector_load %arg6[%get3A_136] {strides = array<i32>} : memref<1024xi32, #tpu.memory_space<vmem>>, vector<16xi32>,
    %get3A_138 = vector.shape_cast %get3A_137 : vector<16xi32> to vector<16xi32>
    %get3A_139 = arith.constant 176 : index
    %get3A_140 = tpu.vector_load %arg7[%get3A_139] {strides = array<i32>} : memref<1024xi32, #tpu.memory_space<vmem>>, vector<16xi32>,
    %get3A_141 = vector.shape_cast %get3A_140 : vector<16xi32> to vector<16xi32>
    %xor3A_142 = arith.xori %get3A_138, %get3A_141 : vector<16xi32>
    %add3A_143 = arith.addi %add3A_111, %xor3A_142 : vector<16xi32>
    %get3A_144 = arith.constant 192 : index
    %get3A_145 = tpu.vector_load %arg6[%get3A_144] {strides = array<i32>} : memref<1024xi32, #tpu.memory_space<vmem>>, vector<16xi32>,
    %get3A_146 = vector.shape_cast %get3A_145 : vector<16xi32> to vector<16xi32>
    %get3A_147 = arith.constant 192 : index
    %get3A_148 = tpu.vector_load %arg7[%get3A_147] {strides = array<i32>} : memref<1024xi32, #tpu.memory_space<vmem>>, vector<16xi32>,
    %get3A_149 = vector.shape_cast %get3A_148 : vector<16xi32> to vector<16xi32>
    %xor3A_150 = arith.xori %get3A_146, %get3A_149 : vector<16xi32>
    %add3A_151 = arith.addi %add3A_119, %xor3A_150 : vector<16xi32>
    %get3A_152 = arith.constant 208 : index
    %get3A_153 = tpu.vector_load %arg6[%get3A_152] {strides = array<i32>} : memref<1024xi32, #tpu.memory_space<vmem>>, vector<16xi32>,
    %get3A_154 = vector.shape_cast %get3A_153 : vector<16xi32> to vector<16xi32>
    %get3A_155 = arith.constant 208 : index
    %get3A_156 = tpu.vector_load %arg7[%get3A_155] {strides = array<i32>} : memref<1024xi32, #tpu.memory_space<vmem>>, vector<16xi32>,
    %get3A_157 = vector.shape_cast %get3A_156 : vector<16xi32> to vector<16xi32>
    %xor3A_158 = arith.xori %get3A_154, %get3A_157 : vector<16xi32>
    %add3A_159 = arith.addi %add3A_127, %xor3A_158 : vector<16xi32>
    %get3A_160 = arith.constant 224 : index
    %get3A_161 = tpu.vector_load %arg6[%get3A_160] {strides = array<i32>} : memref<1024xi32, #tpu.memory_space<vmem>>, vector<16xi32>,
    %get3A_162 = vector.shape_cast %get3A_161 : vector<16xi32> to vector<16xi32>
    %get3A_163 = arith.constant 224 : index
    %get3A_164 = tpu.vector_load %arg7[%get3A_163] {strides = array<i32>} : memref<1024xi32, #tpu.memory_space<vmem>>, vector<16xi32>,
    %get3A_165 = vector.shape_cast %get3A_164 : vector<16xi32> to vector<16xi32>
    %xor3A_166 = arith.xori %get3A_162, %get3A_165 : vector<16xi32>
    %add3A_167 = arith.addi %add3A_135, %xor3A_166 : vector<16xi32>
    %get3A_168 = arith.constant 240 : index
    %get3A_169 = tpu.vector_load %arg6[%get3A_168] {strides = array<i32>} : memref<1024xi32, #tpu.memory_space<vmem>>, vector<16xi32>,
    %get3A_170 = vector.shape_cast %get3A_169 : vector<16xi32> to vector<16xi32>
    %get3A_171 = arith.constant 240 : index
    %get3A_172 = tpu.vector_load %arg7[%get3A_171] {strides = array<i32>} : memref<1024xi32, #tpu.memory_space<vmem>>, vector<16xi32>,
    %get3A_173 = vector.shape_cast %get3A_172 : vector<16xi32> to vector<16xi32>
    %xor3A_174 = arith.xori %get3A_170, %get3A_173 : vector<16xi32>
    %add3A_175 = arith.addi %add3A_143, %xor3A_174 : vector<16xi32>
    %get3A_176 = arith.constant 256 : index
    %get3A_177 = tpu.vector_load %arg6[%get3A_176] {strides = array<i32>} : memref<1024xi32, #tpu.memory_space<vmem>>, vector<16xi32>,
    %get3A_178 = vector.shape_cast %get3A_177 : vector<16xi32> to vector<16xi32>
    %get3A_179 = arith.constant 256 : index
    %get3A_180 = tpu.vector_load %arg7[%get3A_179] {strides = array<i32>} : memref<1024xi32, #tpu.memory_space<vmem>>, vector<16xi32>,
    %get3A_181 = vector.shape_cast %get3A_180 : vector<16xi32> to vector<16xi32>
    %xor3A_182 = arith.xori %get3A_178, %get3A_181 : vector<16xi32>
    %add3A_183 = arith.addi %add3A_151, %xor3A_182 : vector<16xi32>
    %get3A_184 = arith.constant 272 : index
    %get3A_185 = tpu.vector_load %arg6[%get3A_184] {strides = array<i32>} : memref<1024xi32, #tpu.memory_space<vmem>>, vector<16xi32>,
    %get3A_186 = vector.shape_cast %get3A_185 : vector<16xi32> to vector<16xi32>
    %get3A_187 = arith.constant 272 : index
    %get3A_188 = tpu.vector_load %arg7[%get3A_187] {strides = array<i32>} : memref<1024xi32, #tpu.memory_space<vmem>>, vector<16xi32>,
    %get3A_189 = vector.shape_cast %get3A_188 : vector<16xi32> to vector<16xi32>
    %xor3A_190 = arith.xori %get3A_186, %get3A_189 : vector<16xi32>
    %add3A_191 = arith.addi %add3A_159, %xor3A_190 : vector<16xi32>
    %get3A_192 = arith.constant 288 : index
    %get3A_193 = tpu.vector_load %arg6[%get3A_192] {strides = array<i32>} : memref<1024xi32, #tpu.memory_space<vmem>>, vector<16xi32>,
    %get3A_194 = vector.shape_cast %get3A_193 : vector<16xi32> to vector<16xi32>
    %get3A_195 = arith.constant 288 : index
    %get3A_196 = tpu.vector_load %arg7[%get3A_195] {strides = array<i32>} : memref<1024xi32, #tpu.memory_space<vmem>>, vector<16xi32>,
    %get3A_197 = vector.shape_cast %get3A_196 : vector<16xi32> to vector<16xi32>
    %xor3A_198 = arith.xori %get3A_194, %get3A_197 : vector<16xi32>
    %add3A_199 = arith.addi %add3A_167, %xor3A_198 : vector<16xi32>
    %get3A_200 = arith.constant 304 : index
    %get3A_201 = tpu.vector_load %arg6[%get3A_200] {strides = array<i32>} : memref<1024xi32, #tpu.memory_space<vmem>>, vector<16xi32>,
    %get3A_202 = vector.shape_cast %get3A_201 : vector<16xi32> to vector<16xi32>
    %get3A_203 = arith.constant 304 : index
    %get3A_204 = tpu.vector_load %arg7[%get3A_203] {strides = array<i32>} : memref<1024xi32, #tpu.memory_space<vmem>>, vector<16xi32>,
    %get3A_205 = vector.shape_cast %get3A_204 : vector<16xi32> to vector<16xi32>
    %xor3A_206 = arith.xori %get3A_202, %get3A_205 : vector<16xi32>
    %add3A_207 = arith.addi %add3A_175, %xor3A_206 : vector<16xi32>
    %get3A_208 = arith.constant 320 : index
    %get3A_209 = tpu.vector_load %arg6[%get3A_208] {strides = array<i32>} : memref<1024xi32, #tpu.memory_space<vmem>>, vector<16xi32>,
    %get3A_210 = vector.shape_cast %get3A_209 : vector<16xi32> to vector<16xi32>
    %get3A_211 = arith.constant 320 : index
    %get3A_212 = tpu.vector_load %arg7[%get3A_211] {strides = array<i32>} : memref<1024xi32, #tpu.memory_space<vmem>>, vector<16xi32>,
    %get3A_213 = vector.shape_cast %get3A_212 : vector<16xi32> to vector<16xi32>
    %xor3A_214 = arith.xori %get3A_210, %get3A_213 : vector<16xi32>
    %add3A_215 = arith.addi %add3A_183, %xor3A_214 : vector<16xi32>
    %get3A_216 = arith.constant 336 : index
    %get3A_217 = tpu.vector_load %arg6[%get3A_216] {strides = array<i32>} : memref<1024xi32, #tpu.memory_space<vmem>>, vector<16xi32>,
    %get3A_218 = vector.shape_cast %get3A_217 : vector<16xi32> to vector<16xi32>
    %get3A_219 = arith.constant 336 : index
    %get3A_220 = tpu.vector_load %arg7[%get3A_219] {strides = array<i32>} : memref<1024xi32, #tpu.memory_space<vmem>>, vector<16xi32>,
    %get3A_221 = vector.shape_cast %get3A_220 : vector<16xi32> to vector<16xi32>
    %xor3A_222 = arith.xori %get3A_218, %get3A_221 : vector<16xi32>
    %add3A_223 = arith.addi %add3A_191, %xor3A_222 : vector<16xi32>
    %get3A_224 = arith.constant 352 : index
    %get3A_225 = tpu.vector_load %arg6[%get3A_224] {strides = array<i32>} : memref<1024xi32, #tpu.memory_space<vmem>>, vector<16xi32>,
    %get3A_226 = vector.shape_cast %get3A_225 : vector<16xi32> to vector<16xi32>
    %get3A_227 = arith.constant 352 : index
    %get3A_228 = tpu.vector_load %arg7[%get3A_227] {strides = array<i32>} : memref<1024xi32, #tpu.memory_space<vmem>>, vector<16xi32>,
    %get3A_229 = vector.shape_cast %get3A_228 : vector<16xi32> to vector<16xi32>
    %xor3A_230 = arith.xori %get3A_226, %get3A_229 : vector<16xi32>
    %add3A_231 = arith.addi %add3A_199, %xor3A_230 : vector<16xi32>
    %get3A_232 = arith.constant 368 : index
    %get3A_233 = tpu.vector_load %arg6[%get3A_232] {strides = array<i32>} : memref<1024xi32, #tpu.memory_space<vmem>>, vector<16xi32>,
    %get3A_234 = vector.shape_cast %get3A_233 : vector<16xi32> to vector<16xi32>
    %get3A_235 = arith.constant 368 : index
    %get3A_236 = tpu.vector_load %arg7[%get3A_235] {strides = array<i32>} : memref<1024xi32, #tpu.memory_space<vmem>>, vector<16xi32>,
    %get3A_237 = vector.shape_cast %get3A_236 : vector<16xi32> to vector<16xi32>
    %xor3A_238 = arith.xori %get3A_234, %get3A_237 : vector<16xi32>
    %add3A_239 = arith.addi %add3A_207, %xor3A_238 : vector<16xi32>
    %get3A_240 = arith.constant 384 : index
    %get3A_241 = tpu.vector_load %arg6[%get3A_240] {strides = array<i32>} : memref<1024xi32, #tpu.memory_space<vmem>>, vector<16xi32>,
    %get3A_242 = vector.shape_cast %get3A_241 : vector<16xi32> to vector<16xi32>
    %get3A_243 = arith.constant 384 : index
    %get3A_244 = tpu.vector_load %arg7[%get3A_243] {strides = array<i32>} : memref<1024xi32, #tpu.memory_space<vmem>>, vector<16xi32>,
    %get3A_245 = vector.shape_cast %get3A_244 : vector<16xi32> to vector<16xi32>
    %xor3A_246 = arith.xori %get3A_242, %get3A_245 : vector<16xi32>
    %add3A_247 = arith.addi %add3A_215, %xor3A_246 : vector<16xi32>
    %get3A_248 = arith.constant 400 : index
    %get3A_249 = tpu.vector_load %arg6[%get3A_248] {strides = array<i32>} : memref<1024xi32, #tpu.memory_space<vmem>>, vector<16xi32>,
    %get3A_250 = vector.shape_cast %get3A_249 : vector<16xi32> to vector<16xi32>
    %get3A_251 = arith.constant 400 : index
    %get3A_252 = tpu.vector_load %arg7[%get3A_251] {strides = array<i32>} : memref<1024xi32, #tpu.memory_space<vmem>>, vector<16xi32>,
    %get3A_253 = vector.shape_cast %get3A_252 : vector<16xi32> to vector<16xi32>
    %xor3A_254 = arith.xori %get3A_250, %get3A_253 : vector<16xi32>
    %add3A_255 = arith.addi %add3A_223, %xor3A_254 : vector<16xi32>
    %get3A_256 = arith.constant 416 : index
    %get3A_257 = tpu.vector_load %arg6[%get3A_256] {strides = array<i32>} : memref<1024xi32, #tpu.memory_space<vmem>>, vector<16xi32>,
    %get3A_258 = vector.shape_cast %get3A_257 : vector<16xi32> to vector<16xi32>
    %get3A_259 = arith.constant 416 : index
    %get3A_260 = tpu.vector_load %arg7[%get3A_259] {strides = array<i32>} : memref<1024xi32, #tpu.memory_space<vmem>>, vector<16xi32>,
    %get3A_261 = vector.shape_cast %get3A_260 : vector<16xi32> to vector<16xi32>
    %xor3A_262 = arith.xori %get3A_258, %get3A_261 : vector<16xi32>
    %add3A_263 = arith.addi %add3A_231, %xor3A_262 : vector<16xi32>
    %get3A_264 = arith.constant 432 : index
    %get3A_265 = tpu.vector_load %arg6[%get3A_264] {strides = array<i32>} : memref<1024xi32, #tpu.memory_space<vmem>>, vector<16xi32>,
    %get3A_266 = vector.shape_cast %get3A_265 : vector<16xi32> to vector<16xi32>
    %get3A_267 = arith.constant 432 : index
    %get3A_268 = tpu.vector_load %arg7[%get3A_267] {strides = array<i32>} : memref<1024xi32, #tpu.memory_space<vmem>>, vector<16xi32>,
    %get3A_269 = vector.shape_cast %get3A_268 : vector<16xi32> to vector<16xi32>
    %xor3A_270 = arith.xori %get3A_266, %get3A_269 : vector<16xi32>
    %add3A_271 = arith.addi %add3A_239, %xor3A_270 : vector<16xi32>
    %get3A_272 = arith.constant 448 : index
    %get3A_273 = tpu.vector_load %arg6[%get3A_272] {strides = array<i32>} : memref<1024xi32, #tpu.memory_space<vmem>>, vector<16xi32>,
    %get3A_274 = vector.shape_cast %get3A_273 : vector<16xi32> to vector<16xi32>
    %get3A_275 = arith.constant 448 : index
    %get3A_276 = tpu.vector_load %arg7[%get3A_275] {strides = array<i32>} : memref<1024xi32, #tpu.memory_space<vmem>>, vector<16xi32>,
    %get3A_277 = vector.shape_cast %get3A_276 : vector<16xi32> to vector<16xi32>
    %xor3A_278 = arith.xori %get3A_274, %get3A_277 : vector<16xi32>
    %add3A_279 = arith.addi %add3A_247, %xor3A_278 : vector<16xi32>
    %get3A_280 = arith.constant 464 : index
    %get3A_281 = tpu.vector_load %arg6[%get3A_280] {strides = array<i32>} : memref<1024xi32, #tpu.memory_space<vmem>>, vector<16xi32>,
    %get3A_282 = vector.shape_cast %get3A_281 : vector<16xi32> to vector<16xi32>
    %get3A_283 = arith.constant 464 : index
    %get3A_284 = tpu.vector_load %arg7[%get3A_283] {strides = array<i32>} : memref<1024xi32, #tpu.memory_space<vmem>>, vector<16xi32>,
    %get3A_285 = vector.shape_cast %get3A_284 : vector<16xi32> to vector<16xi32>
    %xor3A_286 = arith.xori %get3A_282, %get3A_285 : vector<16xi32>
    %add3A_287 = arith.addi %add3A_255, %xor3A_286 : vector<16xi32>
    %get3A_288 = arith.constant 480 : index
    %get3A_289 = tpu.vector_load %arg6[%get3A_288] {strides = array<i32>} : memref<1024xi32, #tpu.memory_space<vmem>>, vector<16xi32>,
    %get3A_290 = vector.shape_cast %get3A_289 : vector<16xi32> to vector<16xi32>
    %get3A_291 = arith.constant 480 : index
    %get3A_292 = tpu.vector_load %arg7[%get3A_291] {strides = array<i32>} : memref<1024xi32, #tpu.memory_space<vmem>>, vector<16xi32>,
    %get3A_293 = vector.shape_cast %get3A_292 : vector<16xi32> to vector<16xi32>
    %xor3A_294 = arith.xori %get3A_290, %get3A_293 : vector<16xi32>
    %add3A_295 = arith.addi %add3A_263, %xor3A_294 : vector<16xi32>
    %get3A_296 = arith.constant 496 : index
    %get3A_297 = tpu.vector_load %arg6[%get3A_296] {strides = array<i32>} : memref<1024xi32, #tpu.memory_space<vmem>>, vector<16xi32>,
    %get3A_298 = vector.shape_cast %get3A_297 : vector<16xi32> to vector<16xi32>
    %get3A_299 = arith.constant 496 : index
    %get3A_300 = tpu.vector_load %arg7[%get3A_299] {strides = array<i32>} : memref<1024xi32, #tpu.memory_space<vmem>>, vector<16xi32>,
    %get3A_301 = vector.shape_cast %get3A_300 : vector<16xi32> to vector<16xi32>
    %xor3A_302 = arith.xori %get3A_298, %get3A_301 : vector<16xi32>
    %add3A_303 = arith.addi %add3A_271, %xor3A_302 : vector<16xi32>
    %get3A_304 = arith.constant 512 : index
    %get3A_305 = tpu.vector_load %arg6[%get3A_304] {strides = array<i32>} : memref<1024xi32, #tpu.memory_space<vmem>>, vector<16xi32>,
    %get3A_306 = vector.shape_cast %get3A_305 : vector<16xi32> to vector<16xi32>
    %get3A_307 = arith.constant 512 : index
    %get3A_308 = tpu.vector_load %arg7[%get3A_307] {strides = array<i32>} : memref<1024xi32, #tpu.memory_space<vmem>>, vector<16xi32>,
    %get3A_309 = vector.shape_cast %get3A_308 : vector<16xi32> to vector<16xi32>
    %xor3A_310 = arith.xori %get3A_306, %get3A_309 : vector<16xi32>
    %add3A_311 = arith.addi %add3A_279, %xor3A_310 : vector<16xi32>
    %get3A_312 = arith.constant 528 : index
    %get3A_313 = tpu.vector_load %arg6[%get3A_312] {strides = array<i32>} : memref<1024xi32, #tpu.memory_space<vmem>>, vector<16xi32>,
    %get3A_314 = vector.shape_cast %get3A_313 : vector<16xi32> to vector<16xi32>
    %get3A_315 = arith.constant 528 : index
    %get3A_316 = tpu.vector_load %arg7[%get3A_315] {strides = array<i32>} : memref<1024xi32, #tpu.memory_space<vmem>>, vector<16xi32>,
    %get3A_317 = vector.shape_cast %get3A_316 : vector<16xi32> to vector<16xi32>
    %xor3A_318 = arith.xori %get3A_314, %get3A_317 : vector<16xi32>
    %add3A_319 = arith.addi %add3A_287, %xor3A_318 : vector<16xi32>
    %get3A_320 = arith.constant 544 : index
    %get3A_321 = tpu.vector_load %arg6[%get3A_320] {strides = array<i32>} : memref<1024xi32, #tpu.memory_space<vmem>>, vector<16xi32>,
    %get3A_322 = vector.shape_cast %get3A_321 : vector<16xi32> to vector<16xi32>
    %get3A_323 = arith.constant 544 : index
    %get3A_324 = tpu.vector_load %arg7[%get3A_323] {strides = array<i32>} : memref<1024xi32, #tpu.memory_space<vmem>>, vector<16xi32>,
    %get3A_325 = vector.shape_cast %get3A_324 : vector<16xi32> to vector<16xi32>
    %xor3A_326 = arith.xori %get3A_322, %get3A_325 : vector<16xi32>
    %add3A_327 = arith.addi %add3A_295, %xor3A_326 : vector<16xi32>
    %get3A_328 = arith.constant 560 : index
    %get3A_329 = tpu.vector_load %arg6[%get3A_328] {strides = array<i32>} : memref<1024xi32, #tpu.memory_space<vmem>>, vector<16xi32>,
    %get3A_330 = vector.shape_cast %get3A_329 : vector<16xi32> to vector<16xi32>
    %get3A_331 = arith.constant 560 : index
    %get3A_332 = tpu.vector_load %arg7[%get3A_331] {strides = array<i32>} : memref<1024xi32, #tpu.memory_space<vmem>>, vector<16xi32>,
    %get3A_333 = vector.shape_cast %get3A_332 : vector<16xi32> to vector<16xi32>
    %xor3A_334 = arith.xori %get3A_330, %get3A_333 : vector<16xi32>
    %add3A_335 = arith.addi %add3A_303, %xor3A_334 : vector<16xi32>
    %get3A_336 = arith.constant 576 : index
    %get3A_337 = tpu.vector_load %arg6[%get3A_336] {strides = array<i32>} : memref<1024xi32, #tpu.memory_space<vmem>>, vector<16xi32>,
    %get3A_338 = vector.shape_cast %get3A_337 : vector<16xi32> to vector<16xi32>
    %get3A_339 = arith.constant 576 : index
    %get3A_340 = tpu.vector_load %arg7[%get3A_339] {strides = array<i32>} : memref<1024xi32, #tpu.memory_space<vmem>>, vector<16xi32>,
    %get3A_341 = vector.shape_cast %get3A_340 : vector<16xi32> to vector<16xi32>
    %xor3A_342 = arith.xori %get3A_338, %get3A_341 : vector<16xi32>
    %add3A_343 = arith.addi %add3A_311, %xor3A_342 : vector<16xi32>
    %get3A_344 = arith.constant 592 : index
    %get3A_345 = tpu.vector_load %arg6[%get3A_344] {strides = array<i32>} : memref<1024xi32, #tpu.memory_space<vmem>>, vector<16xi32>,
    %get3A_346 = vector.shape_cast %get3A_345 : vector<16xi32> to vector<16xi32>
    %get3A_347 = arith.constant 592 : index
    %get3A_348 = tpu.vector_load %arg7[%get3A_347] {strides = array<i32>} : memref<1024xi32, #tpu.memory_space<vmem>>, vector<16xi32>,
    %get3A_349 = vector.shape_cast %get3A_348 : vector<16xi32> to vector<16xi32>
    %xor3A_350 = arith.xori %get3A_346, %get3A_349 : vector<16xi32>
    %add3A_351 = arith.addi %add3A_319, %xor3A_350 : vector<16xi32>
    %get3A_352 = arith.constant 608 : index
    %get3A_353 = tpu.vector_load %arg6[%get3A_352] {strides = array<i32>} : memref<1024xi32, #tpu.memory_space<vmem>>, vector<16xi32>,
    %get3A_354 = vector.shape_cast %get3A_353 : vector<16xi32> to vector<16xi32>
    %get3A_355 = arith.constant 608 : index
    %get3A_356 = tpu.vector_load %arg7[%get3A_355] {strides = array<i32>} : memref<1024xi32, #tpu.memory_space<vmem>>, vector<16xi32>,
    %get3A_357 = vector.shape_cast %get3A_356 : vector<16xi32> to vector<16xi32>
    %xor3A_358 = arith.xori %get3A_354, %get3A_357 : vector<16xi32>
    %add3A_359 = arith.addi %add3A_327, %xor3A_358 : vector<16xi32>
    %get3A_360 = arith.constant 624 : index
    %get3A_361 = tpu.vector_load %arg6[%get3A_360] {strides = array<i32>} : memref<1024xi32, #tpu.memory_space<vmem>>, vector<16xi32>,
    %get3A_362 = vector.shape_cast %get3A_361 : vector<16xi32> to vector<16xi32>
    %get3A_363 = arith.constant 624 : index
    %get3A_364 = tpu.vector_load %arg7[%get3A_363] {strides = array<i32>} : memref<1024xi32, #tpu.memory_space<vmem>>, vector<16xi32>,
    %get3A_365 = vector.shape_cast %get3A_364 : vector<16xi32> to vector<16xi32>
    %xor3A_366 = arith.xori %get3A_362, %get3A_365 : vector<16xi32>
    %add3A_367 = arith.addi %add3A_335, %xor3A_366 : vector<16xi32>
    %get3A_368 = arith.constant 640 : index
    %get3A_369 = tpu.vector_load %arg6[%get3A_368] {strides = array<i32>} : memref<1024xi32, #tpu.memory_space<vmem>>, vector<16xi32>,
    %get3A_370 = vector.shape_cast %get3A_369 : vector<16xi32> to vector<16xi32>
    %get3A_371 = arith.constant 640 : index
    %get3A_372 = tpu.vector_load %arg7[%get3A_371] {strides = array<i32>} : memref<1024xi32, #tpu.memory_space<vmem>>, vector<16xi32>,
    %get3A_373 = vector.shape_cast %get3A_372 : vector<16xi32> to vector<16xi32>
    %xor3A_374 = arith.xori %get3A_370, %get3A_373 : vector<16xi32>
    %add3A_375 = arith.addi %add3A_343, %xor3A_374 : vector<16xi32>
    %get3A_376 = arith.constant 656 : index
    %get3A_377 = tpu.vector_load %arg6[%get3A_376] {strides = array<i32>} : memref<1024xi32, #tpu.memory_space<vmem>>, vector<16xi32>,
    %get3A_378 = vector.shape_cast %get3A_377 : vector<16xi32> to vector<16xi32>
    %get3A_379 = arith.constant 656 : index
    %get3A_380 = tpu.vector_load %arg7[%get3A_379] {strides = array<i32>} : memref<1024xi32, #tpu.memory_space<vmem>>, vector<16xi32>,
    %get3A_381 = vector.shape_cast %get3A_380 : vector<16xi32> to vector<16xi32>
    %xor3A_382 = arith.xori %get3A_378, %get3A_381 : vector<16xi32>
    %add3A_383 = arith.addi %add3A_351, %xor3A_382 : vector<16xi32>
    %get3A_384 = arith.constant 672 : index
    %get3A_385 = tpu.vector_load %arg6[%get3A_384] {strides = array<i32>} : memref<1024xi32, #tpu.memory_space<vmem>>, vector<16xi32>,
    %get3A_386 = vector.shape_cast %get3A_385 : vector<16xi32> to vector<16xi32>
    %get3A_387 = arith.constant 672 : index
    %get3A_388 = tpu.vector_load %arg7[%get3A_387] {strides = array<i32>} : memref<1024xi32, #tpu.memory_space<vmem>>, vector<16xi32>,
    %get3A_389 = vector.shape_cast %get3A_388 : vector<16xi32> to vector<16xi32>
    %xor3A_390 = arith.xori %get3A_386, %get3A_389 : vector<16xi32>
    %add3A_391 = arith.addi %add3A_359, %xor3A_390 : vector<16xi32>
    %get3A_392 = arith.constant 688 : index
    %get3A_393 = tpu.vector_load %arg6[%get3A_392] {strides = array<i32>} : memref<1024xi32, #tpu.memory_space<vmem>>, vector<16xi32>,
    %get3A_394 = vector.shape_cast %get3A_393 : vector<16xi32> to vector<16xi32>
    %get3A_395 = arith.constant 688 : index
    %get3A_396 = tpu.vector_load %arg7[%get3A_395] {strides = array<i32>} : memref<1024xi32, #tpu.memory_space<vmem>>, vector<16xi32>,
    %get3A_397 = vector.shape_cast %get3A_396 : vector<16xi32> to vector<16xi32>
    %xor3A_398 = arith.xori %get3A_394, %get3A_397 : vector<16xi32>
    %add3A_399 = arith.addi %add3A_367, %xor3A_398 : vector<16xi32>
    %get3A_400 = arith.constant 704 : index
    %get3A_401 = tpu.vector_load %arg6[%get3A_400] {strides = array<i32>} : memref<1024xi32, #tpu.memory_space<vmem>>, vector<16xi32>,
    %get3A_402 = vector.shape_cast %get3A_401 : vector<16xi32> to vector<16xi32>
    %get3A_403 = arith.constant 704 : index
    %get3A_404 = tpu.vector_load %arg7[%get3A_403] {strides = array<i32>} : memref<1024xi32, #tpu.memory_space<vmem>>, vector<16xi32>,
    %get3A_405 = vector.shape_cast %get3A_404 : vector<16xi32> to vector<16xi32>
    %xor3A_406 = arith.xori %get3A_402, %get3A_405 : vector<16xi32>
    %add3A_407 = arith.addi %add3A_375, %xor3A_406 : vector<16xi32>
    %get3A_408 = arith.constant 720 : index
    %get3A_409 = tpu.vector_load %arg6[%get3A_408] {strides = array<i32>} : memref<1024xi32, #tpu.memory_space<vmem>>, vector<16xi32>,
    %get3A_410 = vector.shape_cast %get3A_409 : vector<16xi32> to vector<16xi32>
    %get3A_411 = arith.constant 720 : index
    %get3A_412 = tpu.vector_load %arg7[%get3A_411] {strides = array<i32>} : memref<1024xi32, #tpu.memory_space<vmem>>, vector<16xi32>,
    %get3A_413 = vector.shape_cast %get3A_412 : vector<16xi32> to vector<16xi32>
    %xor3A_414 = arith.xori %get3A_410, %get3A_413 : vector<16xi32>
    %add3A_415 = arith.addi %add3A_383, %xor3A_414 : vector<16xi32>
    %get3A_416 = arith.constant 736 : index
    %get3A_417 = tpu.vector_load %arg6[%get3A_416] {strides = array<i32>} : memref<1024xi32, #tpu.memory_space<vmem>>, vector<16xi32>,
    %get3A_418 = vector.shape_cast %get3A_417 : vector<16xi32> to vector<16xi32>
    %get3A_419 = arith.constant 736 : index
    %get3A_420 = tpu.vector_load %arg7[%get3A_419] {strides = array<i32>} : memref<1024xi32, #tpu.memory_space<vmem>>, vector<16xi32>,
    %get3A_421 = vector.shape_cast %get3A_420 : vector<16xi32> to vector<16xi32>
    %xor3A_422 = arith.xori %get3A_418, %get3A_421 : vector<16xi32>
    %add3A_423 = arith.addi %add3A_391, %xor3A_422 : vector<16xi32>
    %get3A_424 = arith.constant 752 : index
    %get3A_425 = tpu.vector_load %arg6[%get3A_424] {strides = array<i32>} : memref<1024xi32, #tpu.memory_space<vmem>>, vector<16xi32>,
    %get3A_426 = vector.shape_cast %get3A_425 : vector<16xi32> to vector<16xi32>
    %get3A_427 = arith.constant 752 : index
    %get3A_428 = tpu.vector_load %arg7[%get3A_427] {strides = array<i32>} : memref<1024xi32, #tpu.memory_space<vmem>>, vector<16xi32>,
    %get3A_429 = vector.shape_cast %get3A_428 : vector<16xi32> to vector<16xi32>
    %xor3A_430 = arith.xori %get3A_426, %get3A_429 : vector<16xi32>
    %add3A_431 = arith.addi %add3A_399, %xor3A_430 : vector<16xi32>
    %get3A_432 = arith.constant 768 : index
    %get3A_433 = tpu.vector_load %arg6[%get3A_432] {strides = array<i32>} : memref<1024xi32, #tpu.memory_space<vmem>>, vector<16xi32>,
    %get3A_434 = vector.shape_cast %get3A_433 : vector<16xi32> to vector<16xi32>
    %get3A_435 = arith.constant 768 : index
    %get3A_436 = tpu.vector_load %arg7[%get3A_435] {strides = array<i32>} : memref<1024xi32, #tpu.memory_space<vmem>>, vector<16xi32>,
    %get3A_437 = vector.shape_cast %get3A_436 : vector<16xi32> to vector<16xi32>
    %xor3A_438 = arith.xori %get3A_434, %get3A_437 : vector<16xi32>
    %add3A_439 = arith.addi %add3A_407, %xor3A_438 : vector<16xi32>
    %get3A_440 = arith.constant 784 : index
    %get3A_441 = tpu.vector_load %arg6[%get3A_440] {strides = array<i32>} : memref<1024xi32, #tpu.memory_space<vmem>>, vector<16xi32>,
    %get3A_442 = vector.shape_cast %get3A_441 : vector<16xi32> to vector<16xi32>
    %get3A_443 = arith.constant 784 : index
    %get3A_444 = tpu.vector_load %arg7[%get3A_443] {strides = array<i32>} : memref<1024xi32, #tpu.memory_space<vmem>>, vector<16xi32>,
    %get3A_445 = vector.shape_cast %get3A_444 : vector<16xi32> to vector<16xi32>
    %xor3A_446 = arith.xori %get3A_442, %get3A_445 : vector<16xi32>
    %add3A_447 = arith.addi %add3A_415, %xor3A_446 : vector<16xi32>
    %get3A_448 = arith.constant 800 : index
    %get3A_449 = tpu.vector_load %arg6[%get3A_448] {strides = array<i32>} : memref<1024xi32, #tpu.memory_space<vmem>>, vector<16xi32>,
    %get3A_450 = vector.shape_cast %get3A_449 : vector<16xi32> to vector<16xi32>
    %get3A_451 = arith.constant 800 : index
    %get3A_452 = tpu.vector_load %arg7[%get3A_451] {strides = array<i32>} : memref<1024xi32, #tpu.memory_space<vmem>>, vector<16xi32>,
    %get3A_453 = vector.shape_cast %get3A_452 : vector<16xi32> to vector<16xi32>
    %xor3A_454 = arith.xori %get3A_450, %get3A_453 : vector<16xi32>
    %add3A_455 = arith.addi %add3A_423, %xor3A_454 : vector<16xi32>
    %get3A_456 = arith.constant 816 : index
    %get3A_457 = tpu.vector_load %arg6[%get3A_456] {strides = array<i32>} : memref<1024xi32, #tpu.memory_space<vmem>>, vector<16xi32>,
    %get3A_458 = vector.shape_cast %get3A_457 : vector<16xi32> to vector<16xi32>
    %get3A_459 = arith.constant 816 : index
    %get3A_460 = tpu.vector_load %arg7[%get3A_459] {strides = array<i32>} : memref<1024xi32, #tpu.memory_space<vmem>>, vector<16xi32>,
    %get3A_461 = vector.shape_cast %get3A_460 : vector<16xi32> to vector<16xi32>
    %xor3A_462 = arith.xori %get3A_458, %get3A_461 : vector<16xi32>
    %add3A_463 = arith.addi %add3A_431, %xor3A_462 : vector<16xi32>
    %get3A_464 = arith.constant 832 : index
    %get3A_465 = tpu.vector_load %arg6[%get3A_464] {strides = array<i32>} : memref<1024xi32, #tpu.memory_space<vmem>>, vector<16xi32>,
    %get3A_466 = vector.shape_cast %get3A_465 : vector<16xi32> to vector<16xi32>
    %get3A_467 = arith.constant 832 : index
    %get3A_468 = tpu.vector_load %arg7[%get3A_467] {strides = array<i32>} : memref<1024xi32, #tpu.memory_space<vmem>>, vector<16xi32>,
    %get3A_469 = vector.shape_cast %get3A_468 : vector<16xi32> to vector<16xi32>
    %xor3A_470 = arith.xori %get3A_466, %get3A_469 : vector<16xi32>
    %add3A_471 = arith.addi %add3A_439, %xor3A_470 : vector<16xi32>
    %get3A_472 = arith.constant 848 : index
    %get3A_473 = tpu.vector_load %arg6[%get3A_472] {strides = array<i32>} : memref<1024xi32, #tpu.memory_space<vmem>>, vector<16xi32>,
    %get3A_474 = vector.shape_cast %get3A_473 : vector<16xi32> to vector<16xi32>
    %get3A_475 = arith.constant 848 : index
    %get3A_476 = tpu.vector_load %arg7[%get3A_475] {strides = array<i32>} : memref<1024xi32, #tpu.memory_space<vmem>>, vector<16xi32>,
    %get3A_477 = vector.shape_cast %get3A_476 : vector<16xi32> to vector<16xi32>
    %xor3A_478 = arith.xori %get3A_474, %get3A_477 : vector<16xi32>
    %add3A_479 = arith.addi %add3A_447, %xor3A_478 : vector<16xi32>
    %get3A_480 = arith.constant 864 : index
    %get3A_481 = tpu.vector_load %arg6[%get3A_480] {strides = array<i32>} : memref<1024xi32, #tpu.memory_space<vmem>>, vector<16xi32>,
    %get3A_482 = vector.shape_cast %get3A_481 : vector<16xi32> to vector<16xi32>
    %get3A_483 = arith.constant 864 : index
    %get3A_484 = tpu.vector_load %arg7[%get3A_483] {strides = array<i32>} : memref<1024xi32, #tpu.memory_space<vmem>>, vector<16xi32>,
    %get3A_485 = vector.shape_cast %get3A_484 : vector<16xi32> to vector<16xi32>
    %xor3A_486 = arith.xori %get3A_482, %get3A_485 : vector<16xi32>
    %add3A_487 = arith.addi %add3A_455, %xor3A_486 : vector<16xi32>
    %get3A_488 = arith.constant 880 : index
    %get3A_489 = tpu.vector_load %arg6[%get3A_488] {strides = array<i32>} : memref<1024xi32, #tpu.memory_space<vmem>>, vector<16xi32>,
    %get3A_490 = vector.shape_cast %get3A_489 : vector<16xi32> to vector<16xi32>
    %get3A_491 = arith.constant 880 : index
    %get3A_492 = tpu.vector_load %arg7[%get3A_491] {strides = array<i32>} : memref<1024xi32, #tpu.memory_space<vmem>>, vector<16xi32>,
    %get3A_493 = vector.shape_cast %get3A_492 : vector<16xi32> to vector<16xi32>
    %xor3A_494 = arith.xori %get3A_490, %get3A_493 : vector<16xi32>
    %add3A_495 = arith.addi %add3A_463, %xor3A_494 : vector<16xi32>
    %get3A_496 = arith.constant 896 : index
    %get3A_497 = tpu.vector_load %arg6[%get3A_496] {strides = array<i32>} : memref<1024xi32, #tpu.memory_space<vmem>>, vector<16xi32>,
    %get3A_498 = vector.shape_cast %get3A_497 : vector<16xi32> to vector<16xi32>
    %get3A_499 = arith.constant 896 : index
    %get3A_500 = tpu.vector_load %arg7[%get3A_499] {strides = array<i32>} : memref<1024xi32, #tpu.memory_space<vmem>>, vector<16xi32>,
    %get3A_501 = vector.shape_cast %get3A_500 : vector<16xi32> to vector<16xi32>
    %xor3A_502 = arith.xori %get3A_498, %get3A_501 : vector<16xi32>
    %add3A_503 = arith.addi %add3A_471, %xor3A_502 : vector<16xi32>
    %get3A_504 = arith.constant 912 : index
    %get3A_505 = tpu.vector_load %arg6[%get3A_504] {strides = array<i32>} : memref<1024xi32, #tpu.memory_space<vmem>>, vector<16xi32>,
    %get3A_506 = vector.shape_cast %get3A_505 : vector<16xi32> to vector<16xi32>
    %get3A_507 = arith.constant 912 : index
    %get3A_508 = tpu.vector_load %arg7[%get3A_507] {strides = array<i32>} : memref<1024xi32, #tpu.memory_space<vmem>>, vector<16xi32>,
    %get3A_509 = vector.shape_cast %get3A_508 : vector<16xi32> to vector<16xi32>
    %xor3A_510 = arith.xori %get3A_506, %get3A_509 : vector<16xi32>
    %add3A_511 = arith.addi %add3A_479, %xor3A_510 : vector<16xi32>
    %get3A_512 = arith.constant 928 : index
    %get3A_513 = tpu.vector_load %arg6[%get3A_512] {strides = array<i32>} : memref<1024xi32, #tpu.memory_space<vmem>>, vector<16xi32>,
    %get3A_514 = vector.shape_cast %get3A_513 : vector<16xi32> to vector<16xi32>
    %get3A_515 = arith.constant 928 : index
    %get3A_516 = tpu.vector_load %arg7[%get3A_515] {strides = array<i32>} : memref<1024xi32, #tpu.memory_space<vmem>>, vector<16xi32>,
    %get3A_517 = vector.shape_cast %get3A_516 : vector<16xi32> to vector<16xi32>
    %xor3A_518 = arith.xori %get3A_514, %get3A_517 : vector<16xi32>
    %add3A_519 = arith.addi %add3A_487, %xor3A_518 : vector<16xi32>
    %get3A_520 = arith.constant 944 : index
    %get3A_521 = tpu.vector_load %arg6[%get3A_520] {strides = array<i32>} : memref<1024xi32, #tpu.memory_space<vmem>>, vector<16xi32>,
    %get3A_522 = vector.shape_cast %get3A_521 : vector<16xi32> to vector<16xi32>
    %get3A_523 = arith.constant 944 : index
    %get3A_524 = tpu.vector_load %arg7[%get3A_523] {strides = array<i32>} : memref<1024xi32, #tpu.memory_space<vmem>>, vector<16xi32>,
    %get3A_525 = vector.shape_cast %get3A_524 : vector<16xi32> to vector<16xi32>
    %xor3A_526 = arith.xori %get3A_522, %get3A_525 : vector<16xi32>
    %add3A_527 = arith.addi %add3A_495, %xor3A_526 : vector<16xi32>
    %get3A_528 = arith.constant 960 : index
    %get3A_529 = tpu.vector_load %arg6[%get3A_528] {strides = array<i32>} : memref<1024xi32, #tpu.memory_space<vmem>>, vector<16xi32>,
    %get3A_530 = vector.shape_cast %get3A_529 : vector<16xi32> to vector<16xi32>
    %get3A_531 = arith.constant 960 : index
    %get3A_532 = tpu.vector_load %arg7[%get3A_531] {strides = array<i32>} : memref<1024xi32, #tpu.memory_space<vmem>>, vector<16xi32>,
    %get3A_533 = vector.shape_cast %get3A_532 : vector<16xi32> to vector<16xi32>
    %xor3A_534 = arith.xori %get3A_530, %get3A_533 : vector<16xi32>
    %add3A_535 = arith.addi %add3A_503, %xor3A_534 : vector<16xi32>
    %get3A_536 = arith.constant 976 : index
    %get3A_537 = tpu.vector_load %arg6[%get3A_536] {strides = array<i32>} : memref<1024xi32, #tpu.memory_space<vmem>>, vector<16xi32>,
    %get3A_538 = vector.shape_cast %get3A_537 : vector<16xi32> to vector<16xi32>
    %get3A_539 = arith.constant 976 : index
    %get3A_540 = tpu.vector_load %arg7[%get3A_539] {strides = array<i32>} : memref<1024xi32, #tpu.memory_space<vmem>>, vector<16xi32>,
    %get3A_541 = vector.shape_cast %get3A_540 : vector<16xi32> to vector<16xi32>
    %xor3A_542 = arith.xori %get3A_538, %get3A_541 : vector<16xi32>
    %add3A_543 = arith.addi %add3A_511, %xor3A_542 : vector<16xi32>
    %get3A_544 = arith.constant 992 : index
    %get3A_545 = tpu.vector_load %arg6[%get3A_544] {strides = array<i32>} : memref<1024xi32, #tpu.memory_space<vmem>>, vector<16xi32>,
    %get3A_546 = vector.shape_cast %get3A_545 : vector<16xi32> to vector<16xi32>
    %get3A_547 = arith.constant 992 : index
    %get3A_548 = tpu.vector_load %arg7[%get3A_547] {strides = array<i32>} : memref<1024xi32, #tpu.memory_space<vmem>>, vector<16xi32>,
    %get3A_549 = vector.shape_cast %get3A_548 : vector<16xi32> to vector<16xi32>
    %xor3A_550 = arith.xori %get3A_546, %get3A_549 : vector<16xi32>
    %add3A_551 = arith.addi %add3A_519, %xor3A_550 : vector<16xi32>
    %get3A_552 = arith.constant 1008 : index
    %get3A_553 = tpu.vector_load %arg6[%get3A_552] {strides = array<i32>} : memref<1024xi32, #tpu.memory_space<vmem>>, vector<16xi32>,
    %get3A_554 = vector.shape_cast %get3A_553 : vector<16xi32> to vector<16xi32>
    %get3A_555 = arith.constant 1008 : index
    %get3A_556 = tpu.vector_load %arg7[%get3A_555] {strides = array<i32>} : memref<1024xi32, #tpu.memory_space<vmem>>, vector<16xi32>,
    %get3A_557 = vector.shape_cast %get3A_556 : vector<16xi32> to vector<16xi32>
    %xor3A_558 = arith.xori %get3A_554, %get3A_557 : vector<16xi32>
    %add3A_559 = arith.addi %add3A_527, %xor3A_558 : vector<16xi32>
    %add3A_560 = arith.addi %add3A_535, %add3A_543 : vector<16xi32>
    %add3A_561 = arith.addi %add3A_560, %add3A_551 : vector<16xi32>
    %add3A_562 = arith.addi %add3A_561, %add3A_559 : vector<16xi32>
    %iota3A = tpu.iota {dimensions = array<i32: 0>} : vector<16xi32>
    %xor3A_563 = arith.constant 8 : i32
    %xor3A_564 = vector.broadcast %xor3A_563 : i32 to vector<16xi32>
    %xor3A_565 = arith.xori %iota3A, %xor3A_564 : vector<16xi32>
    %reshape3A = vector.shape_cast %xor3A_565 : vector<16xi32> to vector<16x1xi32>
    %gather3A = vector.shape_cast %reshape3A : vector<16x1xi32> to vector<16xi32>
    %gather3A_566 = tpu.dynamic_gather %add3A_562[%gather3A] in [0] : vector<16xi32>, vector<16xi32> -> vector<16xi32>
    %add3A_567 = arith.addi %add3A_562, %gather3A_566 : vector<16xi32>
    %xor3A_568 = arith.constant 4 : i32
    %xor3A_569 = vector.broadcast %xor3A_568 : i32 to vector<16xi32>
    %xor3A_570 = arith.xori %iota3A, %xor3A_569 : vector<16xi32>
    %reshape3A_571 = vector.shape_cast %xor3A_570 : vector<16xi32> to vector<16x1xi32>
    %gather3A_572 = vector.shape_cast %reshape3A_571 : vector<16x1xi32> to vector<16xi32>
    %gather3A_573 = tpu.dynamic_gather %add3A_567[%gather3A_572] in [0] : vector<16xi32>, vector<16xi32> -> vector<16xi32>
    %add3A_574 = arith.addi %add3A_567, %gather3A_573 : vector<16xi32>
    %xor3A_575 = arith.constant 2 : i32
    %xor3A_576 = vector.broadcast %xor3A_575 : i32 to vector<16xi32>
    %xor3A_577 = arith.xori %iota3A, %xor3A_576 : vector<16xi32>
    %reshape3A_578 = vector.shape_cast %xor3A_577 : vector<16xi32> to vector<16x1xi32>
    %gather3A_579 = vector.shape_cast %reshape3A_578 : vector<16x1xi32> to vector<16xi32>
    %gather3A_580 = tpu.dynamic_gather %add3A_574[%gather3A_579] in [0] : vector<16xi32>, vector<16xi32> -> vector<16xi32>
    %add3A_581 = arith.addi %add3A_574, %gather3A_580 : vector<16xi32>
    %xor3A_582 = arith.constant 1 : i32
    %xor3A_583 = vector.broadcast %xor3A_582 : i32 to vector<16xi32>
    %xor3A_584 = arith.xori %iota3A, %xor3A_583 : vector<16xi32>
    %reshape3A_585 = vector.shape_cast %xor3A_584 : vector<16xi32> to vector<16x1xi32>
    %gather3A_586 = vector.shape_cast %reshape3A_585 : vector<16x1xi32> to vector<16xi32>
    %gather3A_587 = tpu.dynamic_gather %add3A_581[%gather3A_586] in [0] : vector<16xi32>, vector<16xi32> -> vector<16xi32>
    %add3A_588 = arith.addi %add3A_581, %gather3A_587 : vector<16xi32>
    %slice3A = vector.extract_strided_slice %add3A_588 {offsets = [0], sizes = [1], strides = [1]} : vector<16xi32> to vector<1xi32>
    %squeeze3A = vector.extract %slice3A[0] : i32 from vector<1xi32>
    %shift_left3A = arith.constant 4 : i32
    %shift_left3A_589 = arith.shli %squeeze3A, %shift_left3A : i32
    %add3A_590 = arith.constant 1 : i32
    %add3A_591 = arith.addi %shift_left3A_589, %add3A_590 : i32
    %sc_fetch_and_add3A = arith.constant 0 : i32
    %sc_fetch_and_add3A_592 = tpu.fetch_and_add_sync %arg10[%sc_fetch_and_add3A], %add3A_591, %mul3A_18 : memref<1xi32, #tpu.memory_space<smem>>, i32 -> i32
    %and3A_593 = arith.constant 15 : i32
    %and3A_594 = arith.andi %sc_fetch_and_add3A_592, %and3A_593 : i32
    %eq3A_595 = arith.constant 3 : i32
    %eq3A_596 = arith.cmpi eq, %and3A_594, %eq3A_595 : i32
    %convert_element_type3A_597 = arith.extui %eq3A_21 : i1 to i32
    %cond3A_598 = arith.constant 0 : i32
    %cond3A_599 = arith.cmpi ne, %convert_element_type3A_597, %cond3A_598 : i32
    scf.if %cond3A_599 {
      %dma_wait3A_603 = arith.constant 0 : i32
      %dma_wait3A_604 = arith.constant 0 : i32
      %dma_wait3A_605 = tpu.memref_slice %arg2[%select_n3A, %dma_wait3A_603, %dma_wait3A_604] : memref<4x4096x1024xf32, #tpu.memory_space<hbm>> -> memref<1x1x1024xf32, #tpu.memory_space<hbm>>
      %dma_wait3A_606 = tpu.memref_squeeze %dma_wait3A_605 : memref<1x1x1024xf32, #tpu.memory_space<hbm>> -> memref<1024xf32, #tpu.memory_space<hbm>>
      %dma_wait3A_607 = arith.constant 0 : i32
      %dma_wait3A_608 = tpu.memref_slice %arg2[%select_n3A, %dma_wait3A_603, %dma_wait3A_607] : memref<4x4096x1024xf32, #tpu.memory_space<hbm>> -> memref<1x1x1024xf32, #tpu.memory_space<hbm>>
      %dma_wait3A_609 = tpu.memref_squeeze %dma_wait3A_608 : memref<1x1x1024xf32, #tpu.memory_space<hbm>> -> memref<1024xf32, #tpu.memory_space<hbm>>
      tpu.wait_dma2 semaphore(%arg13 : memref<!tpu.dma_semaphore, #tpu.memory_space<semaphore_mem>>) src(%dma_wait3A_609 : memref<1024xf32, #tpu.memory_space<hbm>>) dst(%arg8 : memref<1024xf32, #tpu.memory_space<vmem>>)
      "tpu.region"() ({
        %run_scoped3A = tpu.sem_alloc : memref<!tpu.dma_semaphore, #tpu.memory_space<semaphore_mem>>
        %dma_start3A_610 = arith.constant 0 : i32
        %dma_start3A_611 = tpu.memref_slice %arg5[%select_n3A, %dma_start3A_610] : memref<4x2048xf32, #tpu.memory_space<hbm>> -> memref<1x1024xf32, #tpu.memory_space<hbm>>
        %dma_start3A_612 = tpu.memref_squeeze %dma_start3A_611 : memref<1x1024xf32, #tpu.memory_space<hbm>> -> memref<1024xf32, #tpu.memory_space<hbm>>
        %dma_start3A_613 = arith.constant 0 : i32
        %dma_start3A_614 = tpu.memref_slice %arg5[%select_n3A, %dma_start3A_613] : memref<4x2048xf32, #tpu.memory_space<hbm>> -> memref<1x1024xf32, #tpu.memory_space<hbm>>
        %dma_start3A_615 = tpu.memref_squeeze %dma_start3A_614 : memref<1x1024xf32, #tpu.memory_space<hbm>> -> memref<1024xf32, #tpu.memory_space<hbm>>
        tpu.enqueue_dma source(%arg8 : memref<1024xf32, #tpu.memory_space<vmem>>) target(%dma_start3A_615 : memref<1024xf32, #tpu.memory_space<hbm>>) target_semaphore(%run_scoped3A : memref<!tpu.dma_semaphore, #tpu.memory_space<semaphore_mem>>)
        %dma_wait3A_616 = arith.constant 0 : i32
        %dma_wait3A_617 = tpu.memref_slice %arg5[%select_n3A, %dma_wait3A_616] : memref<4x2048xf32, #tpu.memory_space<hbm>> -> memref<1x1024xf32, #tpu.memory_space<hbm>>
        %dma_wait3A_618 = tpu.memref_squeeze %dma_wait3A_617 : memref<1x1024xf32, #tpu.memory_space<hbm>> -> memref<1024xf32, #tpu.memory_space<hbm>>
        %dma_wait3A_619 = arith.constant 0 : i32
        %dma_wait3A_620 = tpu.memref_slice %arg5[%select_n3A, %dma_wait3A_619] : memref<4x2048xf32, #tpu.memory_space<hbm>> -> memref<1x1024xf32, #tpu.memory_space<hbm>>
        %dma_wait3A_621 = tpu.memref_squeeze %dma_wait3A_620 : memref<1x1024xf32, #tpu.memory_space<hbm>> -> memref<1024xf32, #tpu.memory_space<hbm>>
        tpu.wait_dma2 semaphore(%run_scoped3A : memref<!tpu.dma_semaphore, #tpu.memory_space<semaphore_mem>>) src(%arg8 : memref<1024xf32, #tpu.memory_space<vmem>>) dst(%dma_wait3A_621 : memref<1024xf32, #tpu.memory_space<hbm>>)
        tpu.yield
      }) : () -> ()
    } else {
    }
    %convert_element_type3A_600 = arith.extui %eq3A_596 : i1 to i32
    %cond3A_601 = arith.constant 0 : i32
    %cond3A_602 = arith.cmpi ne, %convert_element_type3A_600, %cond3A_601 : i32
    scf.if %cond3A_602 {
      %add3A_603 = arith.addi %sc_fetch_and_add3A_592, %add3A_591 : i32
      %shift_right_arithmetic3A = arith.constant 4 : i32
      %shift_right_arithmetic3A_604 = arith.shrsi %add3A_603, %shift_right_arithmetic3A : i32
      %sub3A_605 = arith.constant 1 : i32
      %sub3A_606 = arith.subi %shift_right_arithmetic3A_604, %sub3A_605 : i32
      %lt3A = arith.constant 0 : i32
      %lt3A_607 = arith.cmpi slt, %sub3A_606, %lt3A : i32
      %add3A_608 = arith.constant 4096 : i32
      %add3A_609 = arith.addi %sub3A_606, %add3A_608 : i32
      %select_n3A_610 = arith.select %lt3A_607, %add3A_609, %sub3A_606 : i32
      %dma_start3A_611 = arith.constant 0 : i32
      %dma_start3A_612 = tpu.memref_slice %arg2[%select_n3A, %select_n3A_610, %dma_start3A_611] : memref<4x4096x1024xf32, #tpu.memory_space<hbm>> -> memref<1x1x1024xf32, #tpu.memory_space<hbm>>
      %dma_start3A_613 = tpu.memref_squeeze %dma_start3A_612 : memref<1x1x1024xf32, #tpu.memory_space<hbm>> -> memref<1024xf32, #tpu.memory_space<hbm>>
      %dma_start3A_614 = arith.constant 0 : i32
      %dma_start3A_615 = tpu.memref_slice %arg2[%select_n3A, %select_n3A_610, %dma_start3A_614] : memref<4x4096x1024xf32, #tpu.memory_space<hbm>> -> memref<1x1x1024xf32, #tpu.memory_space<hbm>>
      %dma_start3A_616 = tpu.memref_squeeze %dma_start3A_615 : memref<1x1x1024xf32, #tpu.memory_space<hbm>> -> memref<1024xf32, #tpu.memory_space<hbm>>
      tpu.enqueue_dma source(%dma_start3A_616 : memref<1024xf32, #tpu.memory_space<hbm>>) target(%arg9 : memref<1024xf32, #tpu.memory_space<vmem>>) target_semaphore(%arg14 : memref<!tpu.dma_semaphore, #tpu.memory_space<semaphore_mem>>)
      %dma_wait3A_617 = arith.constant 0 : i32
      %dma_wait3A_618 = tpu.memref_slice %arg2[%select_n3A, %select_n3A_610, %dma_wait3A_617] : memref<4x4096x1024xf32, #tpu.memory_space<hbm>> -> memref<1x1x1024xf32, #tpu.memory_space<hbm>>
      %dma_wait3A_619 = tpu.memref_squeeze %dma_wait3A_618 : memref<1x1x1024xf32, #tpu.memory_space<hbm>> -> memref<1024xf32, #tpu.memory_space<hbm>>
      %dma_wait3A_620 = arith.constant 0 : i32
      %dma_wait3A_621 = tpu.memref_slice %arg2[%select_n3A, %select_n3A_610, %dma_wait3A_620] : memref<4x4096x1024xf32, #tpu.memory_space<hbm>> -> memref<1x1x1024xf32, #tpu.memory_space<hbm>>
      %dma_wait3A_622 = tpu.memref_squeeze %dma_wait3A_621 : memref<1x1x1024xf32, #tpu.memory_space<hbm>> -> memref<1024xf32, #tpu.memory_space<hbm>>
      tpu.wait_dma2 semaphore(%arg14 : memref<!tpu.dma_semaphore, #tpu.memory_space<semaphore_mem>>) src(%dma_wait3A_622 : memref<1024xf32, #tpu.memory_space<hbm>>) dst(%arg9 : memref<1024xf32, #tpu.memory_space<vmem>>)
      "tpu.region"() ({
        %run_scoped3A = tpu.sem_alloc : memref<!tpu.dma_semaphore, #tpu.memory_space<semaphore_mem>>
        %dma_start3A_623 = arith.constant 1024 : i32
        %dma_start3A_624 = tpu.memref_slice %arg5[%select_n3A, %dma_start3A_623] : memref<4x2048xf32, #tpu.memory_space<hbm>> -> memref<1x1024xf32, #tpu.memory_space<hbm>>
        %dma_start3A_625 = tpu.memref_squeeze %dma_start3A_624 : memref<1x1024xf32, #tpu.memory_space<hbm>> -> memref<1024xf32, #tpu.memory_space<hbm>>
        %dma_start3A_626 = arith.constant 1024 : i32
        %dma_start3A_627 = tpu.memref_slice %arg5[%select_n3A, %dma_start3A_626] : memref<4x2048xf32, #tpu.memory_space<hbm>> -> memref<1x1024xf32, #tpu.memory_space<hbm>>
        %dma_start3A_628 = tpu.memref_squeeze %dma_start3A_627 : memref<1x1024xf32, #tpu.memory_space<hbm>> -> memref<1024xf32, #tpu.memory_space<hbm>>
        tpu.enqueue_dma source(%arg9 : memref<1024xf32, #tpu.memory_space<vmem>>) target(%dma_start3A_628 : memref<1024xf32, #tpu.memory_space<hbm>>) target_semaphore(%run_scoped3A : memref<!tpu.dma_semaphore, #tpu.memory_space<semaphore_mem>>)
        %dma_wait3A_629 = arith.constant 1024 : i32
        %dma_wait3A_630 = tpu.memref_slice %arg5[%select_n3A, %dma_wait3A_629] : memref<4x2048xf32, #tpu.memory_space<hbm>> -> memref<1x1024xf32, #tpu.memory_space<hbm>>
        %dma_wait3A_631 = tpu.memref_squeeze %dma_wait3A_630 : memref<1x1024xf32, #tpu.memory_space<hbm>> -> memref<1024xf32, #tpu.memory_space<hbm>>
        %dma_wait3A_632 = arith.constant 1024 : i32
        %dma_wait3A_633 = tpu.memref_slice %arg5[%select_n3A, %dma_wait3A_632] : memref<4x2048xf32, #tpu.memory_space<hbm>> -> memref<1x1024xf32, #tpu.memory_space<hbm>>
        %dma_wait3A_634 = tpu.memref_squeeze %dma_wait3A_633 : memref<1x1024xf32, #tpu.memory_space<hbm>> -> memref<1024xf32, #tpu.memory_space<hbm>>
        tpu.wait_dma2 semaphore(%run_scoped3A : memref<!tpu.dma_semaphore, #tpu.memory_space<semaphore_mem>>) src(%arg9 : memref<1024xf32, #tpu.memory_space<vmem>>) dst(%dma_wait3A_634 : memref<1024xf32, #tpu.memory_space<hbm>>)
        tpu.yield
      }) : () -> ()
    } else {
    }
    return
  }
}

</mosaic_0001>

<sc_bundles>
// kernel: kernel.3.cloned.1.call-start
scs
__scs_entry_jumppad:
0x0: {  	(pc) =	sbr.rel $0x88, $3  }
0x1: {  	(tag) =	ssettag $0x0;
	lr =	simm.s32 $0x1  }
0x2: {  	[smem:$0x3F9E] =	sst lr;
	_ =	strace $0xD0000000  }
0x3: {  	_ = 	snop  }
0x4: {  	_ = 	snop  }
0x5: {  	_ = 	snop  }
0x6: {  	_ = 	snop  }
0x7: {  	_ = 	snop  }
__scs_overlays_trampoline_lowered:
0x8: {  	[smem:$0x3FAD] =	sst s0  }
0x9: {  	[smem:$0x3FAE] =	sst s1  }
0xa: {  	[smem:$0x3FAF] =	sst s2  }
0xb: {  	[smem:$0x3FB0] =	sst s3  }
0xc: {  	[smem:$0x3FB1] =	sst s4  }
0xd: {  	[smem:$0x3FB2] =	sst s5  }
0xe: {  	[smem:$0x3FB3] =	sst s6  }
0xf: {  	[smem:$0x3FB4] =	sst s7  }
0x10: {  	[smem:$0x3FB5] =	sst s8  }
0x11: {  	[smem:$0x3FB6] =	sst s9;
	s0 =	simm.s32 @!p0 $0x0  }
0x12: {  	s1 =	sld [smem:$0x3F9C];
	s0 =	simm.s32 @p0 $0x1  }
0x13: {  	[smem:$0x3FB7] =	sst s0;
	s0 =	simm.s32 @!p1 $0x0  }
0x14: {  	s2 =	sld [smem:$0x3F9B];
	s0 =	simm.s32 @p1 $0x1  }
0x15: {  	[smem:$0x3FB8] =	sst s0;
	s0 =	simm.s32 @!p2 $0x0  }
0x16: {  	s3 =	sld [smem:$0x3FDB];
	s0 =	simm.s32 @p2 $0x1  }
0x17: {  	s4 =	simm.s32 $0x1BF5;
	[smem:$0x3FBA] =	sst s0  }
0x18: {  	s0 =	sld [smem:$0x3F9D];
	_ =	swait.ge [sflag:s4], $0x0  }
0x19: {  	s7 =	sld [smem:$0x3F9E]  }
0x1a: {  	s8 =	sadd.s32 $0xFFFFE003, lr  }
0x1b: {  	s9 =	sadd.s32 $0xFFFFFEF7, lr;
	s5 =	simm.s32 $0xFFFFFFFF;
	p2 =	slt.u32 s8, $0xFFFFF086  }
0x1c: {  	p1 =	slt.u32 s9, $0xF7A;
	s5 =	simm.s32 @!p2 $0x0  }
0x1d: {  	s5 =	simm.s32 @p1 $0x1;
	p0 =	seq.s32 s7, s2  }
0x1e: {  	s7 =	smul.u32 @!p0 $0xF7A, s2;
	p2 =	seq.s32 @!p0 s5, $0x0  }
0x1f: {  	s9 =	smul.u32 $0xF7A, s1;
	s8 =	simm.s32 @!p0 $0x1BF5;
	p2 =	por !p2, p0  }
0x20: {  	[sflag:s8] =	ssyncset.s32 @!p0 $0xFFFFF086;
	s6 =	sadd.s32 @!p0 s3, s7;
	s7 =	simm.s32 @!p0 $0x108  }
0x21: {  	s3 =	sadd.s32 s3, s9;
	s6 =	sadd.s32 @!p0 $0x88, s6;
	s7 =	simm.s32 @p2 $0x1082  }
0x22: {  	[simem:s7], [sflag:s8] =	dma.local @!p0 [hbm:s6], $0xF7A  }
0x23: {  	s9 =	sor.u32 $0xD0000000, s2;
	s6 =	simm.s32 $0x108;
	_ =	swait.ge @!p0 [sflag:s8], $0x0  }
0x24: {  	s3 =	sadd.s32 $0x88, s3;
	s6 =	simm.s32 @!p1 $0x1082;
	[sflag:s4] =	ssyncset.s32 $0xFFFFF086  }
0x25: {  	[simem:s6], [sflag:s4] =	dma.local [hbm:s3], $0xF7A  }
0x26: {  	[smem:$0x3F9E] =	sst s1;
	(tag) =	ssettag s2;
	_ =	strace s9  }
0x27: {  	s1 =	sld [smem:$0x3FAE]  }
0x28: {  	s2 =	sld [smem:$0x3FAF]  }
0x29: {  	s4 =	sld [smem:$0x3FB1]  }
0x2a: {  	p0 =	seq.s32 s5, $0x0;
	s5 =	sld [smem:$0x3FB2]  }
0x2b: {  	s6 =	sld [smem:$0x3FB3]  }
0x2c: {  	s7 =	sld [smem:$0x3FB4]  }
0x2d: {  	s3 =	simm.s32 $0x108;
	s8 =	sld [smem:$0x3FB5]  }
0x2e: {  	s3 =	simm.s32 @!p0 $0x1082;
	s9 =	sld [smem:$0x3FB6]  }
0x2f: {  	lr =	sadd.s32 s0, s3;
	s0 =	sld [smem:$0x3FAD]  }
0x30: {  	s3 =	sld [smem:$0x3FB0]  }
0x31: {  	[smem:$0x3FB9] =	sst s10  }
0x32: {  	s10 =	sld [smem:$0x3FB7];
	_ =	sdelay $0x3  }
0x33: {  	p0 =	seq.s32 s10, $0x1;
	s10 =	sld [smem:$0x3FB9];
	_ =	sdelay $0x3  }
0x34: {  	[smem:$0x3FB9] =	sst s10  }
0x35: {  	s10 =	sld [smem:$0x3FB8];
	_ =	sdelay $0x3  }
0x36: {  	p1 =	seq.s32 s10, $0x1;
	s10 =	sld [smem:$0x3FB9];
	_ =	sdelay $0x3  }
0x37: {  	[smem:$0x3FB9] =	sst s10  }
0x38: {  	s10 =	sld [smem:$0x3FBA]  }
0x39: {  	_ = 	snop;
	(pc) =	sbr.ind lr, $3  }
0x3a: {  	_ = 	snop  }
0x3b: {  	_ = 	snop  }
0x3c: {  	p2 =	seq.s32 s10, $0x1;
	s10 =	sld [smem:$0x3FB9]  }
0x3d: {  	_ =	shalt  }
0x3e: {  	_ =	shalt  }
0x3f: {  	_ =	shalt  }
0x40: {  	_ =	shalt  }
0x41: {  	_ =	shalt  }
0x42: {  	_ =	shalt  }
0x43: {  	_ =	shalt  }
0x44: {  	_ =	shalt  }
0x45: {  	_ =	shalt  }
0x46: {  	_ =	shalt  }
0x47: {  	_ =	shalt  }
0x48: {  	_ =	shalt  }
0x49: {  	_ =	shalt  }
0x4a: {  	_ =	shalt  }
0x4b: {  	_ =	shalt  }
0x4c: {  	_ =	shalt  }
0x4d: {  	_ =	shalt  }
0x4e: {  	_ =	shalt  }
0x4f: {  	_ =	shalt  }
0x50: {  	_ =	shalt  }
0x51: {  	_ =	shalt  }
0x52: {  	_ =	shalt  }
0x53: {  	_ =	shalt  }
0x54: {  	_ =	shalt  }
0x55: {  	_ =	shalt  }
0x56: {  	_ =	shalt  }
0x57: {  	_ =	shalt  }
0x58: {  	_ =	shalt  }
0x59: {  	_ =	shalt  }
0x5a: {  	_ =	shalt  }
0x5b: {  	_ =	shalt  }
0x5c: {  	_ =	shalt  }
0x5d: {  	_ =	shalt  }
0x5e: {  	_ =	shalt  }
0x5f: {  	_ =	shalt  }
0x60: {  	_ =	shalt  }
0x61: {  	_ =	shalt  }
0x62: {  	_ =	shalt  }
0x63: {  	_ =	shalt  }
0x64: {  	_ =	shalt  }
0x65: {  	_ =	shalt  }
0x66: {  	_ =	shalt  }
0x67: {  	_ =	shalt  }
0x68: {  	_ =	shalt  }
0x69: {  	_ =	shalt  }
0x6a: {  	_ =	shalt  }
0x6b: {  	_ =	shalt  }
0x6c: {  	_ =	shalt  }
0x6d: {  	_ =	shalt  }
0x6e: {  	_ =	shalt  }
0x6f: {  	_ =	shalt  }
0x70: {  	_ =	shalt  }
0x71: {  	_ =	shalt  }
0x72: {  	_ =	shalt  }
0x73: {  	_ =	shalt  }
0x74: {  	_ =	shalt  }
0x75: {  	_ =	shalt  }
0x76: {  	_ =	shalt  }
0x77: {  	_ =	shalt  }
0x78: {  	_ =	shalt  }
0x79: {  	_ =	shalt  }
0x7a: {  	_ =	shalt  }
0x7b: {  	_ =	shalt  }
0x7c: {  	_ =	shalt  }
0x7d: {  	_ =	shalt  }
0x7e: {  	_ =	shalt  }
0x7f: {  	_ =	shalt  }
0x80: {  	_ =	shalt  }
0x81: {  	_ =	shalt  }
0x82: {  	_ =	shalt  }
0x83: {  	_ =	shalt  }
0x84: {  	_ =	shalt  }
0x85: {  	_ =	shalt  }
0x86: {  	_ =	shalt  }
0x87: {  	_ =	shalt  }
.Lfunc_end0:
.L_simem_size_0:
called_computation_lowered:
.L_overlay_start_0:
0x88: {  	s0 =	sld [smem:$0x3FD9]  }
0x89: {  	s1 =	sld [smem:$0x3FFE];
	_ =	sdelay $0x3  }
0x8a: {  	s0 =	sadd.s32 s1, s0  }
0x8b: {  	[smem:$0x3FC5] =	sst s0  }
0x8c: {  	_ = 	snop  }
0x8d: {  	s0 =	sld [smem:$0x3FC9]  }
0x8e: {  	s17 =	sld [smem:$0x3FC8]  }
0x8f: {  	s2 =	sld [smem:$0x3FC7]  }
0x90: {  	s3 =	sld [smem:$0x3FD0];
	(tm) =	ssettm $0x1  }
0x91: {  	s4 =	sld [smem:$0x3FFB];
	_ =	sdelay $0x3  }
0x92: {  	_ =	strace s4  }
0x93: {  	s4 =	sld [smem:$0x3FFC];
	_ =	sdelay $0x3  }
0x94: {  	_ =	strace s4  }
0x95: {  	s4 =	sld [smem:$0x3FFD];
	_ =	sdelay $0x3  }
0x96: {  	_ =	strace s4  }
0x97: {  	_ =	strace $0x8FFFFFFF  }
0x98: {  	s18 =	sld [smem:$0x3FDB];
	_ =	sdelay $0x1  }
0x99: {  	s5 =	simm.s32 $_scs_section_size  }
0x9a: {  	s6 =	simm.s32 $_size__tile_overlayer_lowered;
	s7 =	simm.s32 $_tile_overlayer_lowered  }
0x9b: {  	s21 =	simm.s32 $0x1BFF;
	s20 =	sshll.u32 s7, $0x1;
	s4 =	sadd.s32 s5, s18  }
0x9c: {  	s8 =	simm.s32 $0x0;
	s19 =	sshll.u32 s6, $0x1;
	s6 =	sadd.s32 s20, s4  }
0x9d: {  	[timem:s8], [sflag:s21] =	dma.local [hbm:s6], s19  }
0x9e: {  	_ =	swait.ge [sflag:s21], s19  }
0x9f: {  	s5 =	ssub.s32 $0x0, s19;
	[sflag:s21] =	ssyncset.done $0x0  }
0xa0: {  	[sflag:s21] =	ssyncadd.s32 s5;
	_ =	sdelay $0x1  }
0xa1: {  	s22 =	simm.s32 $0x1B8B  }
0xa2: {  	_ =	swait.ge [sflag:s22], $0x1  }
0xa3: {  	[sflag:s22] =	ssyncset.done $0x0  }
0xa4: {  	s23 =	simm.s32 $0x1B8E;
	[sflag:s22] =	ssyncadd.s32 $0xFFFFFFFF  }
0xa5: {  	s24 =	simm.s32 $execute0_lowered;
	[smem:$0x3FD2] =	sst s23  }
0xa6: {  	s5 =	sshll.u32 s24, $0x1;
	_ =	strace $0x80000046;
	[dreg:$0x1] =	wrdreg $0xFFFFFFFF  }
0xa7: {  	s25 =	simm.s32 $_size_execute0_lowered;
	s4 =	sadd.s32 s4, s5;
	[dreg:$0x0] =	wrdreg $0x0  }
0xa8: {  	s5 =	sshll.u32 s25, $0x1;
	[dreg:$0x2] =	wrdreg s4  }
0xa9: {  	[dreg:$0x3] =	wrdreg s5  }
0xaa: {  	[dreg:$0x4] =	wrdreg $0xC0  }
0xab: {  	_ =	task [dreg:s8], $0x5FFFF  }
0xac: {  	[dreg:$0x1] =	wrdreg $0xFFFFFFFF  }
0xad: {  	[dreg:$0x0] =	wrdreg $0x60  }
0xae: {  	[dreg:$0x2] =	wrdreg s0  }
0xaf: {  	[dreg:$0x3] =	wrdreg s17  }
0xb0: {  	[dreg:$0x4] =	wrdreg s2  }
0xb1: {  	[dreg:$0x5] =	wrdreg s3  }
0xb2: {  	[dreg:$0x6] =	wrdreg $0x9  }
0xb3: {  	_ =	task.clear_ibuf [dreg:s8], $0x7FFFF;
	_ =	strace $0x90000046  }
0xb4: {  	s26 =	simm.s32 $0x9;
	_ =	strace $0x80000048  }
0xb5: {  	_ =	swait.ge [sflag:s26], $0x1  }
0xb6: {  	[sflag:s26] =	ssyncadd.s32 $0xFFFFFFFF  }
0xb7: {  	_ =	strace $0x90000048  }
0xb8: {  	_ =	sfence  }
0xb9: {  	s28 =	sld [smem:$0x0];
	_ =	sdelay $0x1  }
0xba: {  	s29 =	srdreg.scid  }
0xbb: {  	s30 =	sshll.u32 s29, $0xD;
	s31 =	sshrl.u32 s29, $0x2  }
0xbc: {  	s1 =	sand.u32 $0x1, s29;
	s2 =	sand.u32 $0x4000, s30;
	s0 =	sadd.s32 s31, s28  }
0xbd: {  	s1 =	sor.u32 s2, s1;
	s0 =	sshll.u32 s0, $0x11  }
0xbe: {  	s0 =	sor.u32 s0, s1  }
0xbf: {  	s0 =	sadd.s32 $0x8F2B, s0  }
0xc0: {  	[sflag:s0] =	ssyncadd.remote.s32 $0x1  }
0xc1: {  	_ =	sfence.sel $0xFFFF  }
0xc2: {  	[dreg:$0x0] =	wrdreg $0xFFFFFFFF;
	(pc) =	sbr.abs _section_cstart, $3  }
0xc3: {  	[dreg:$0x1] =	wrdreg $0xFFFFFFFF  }
0xc4: {  	_ =	task.clear_ibuf [dreg:s8], $0x2FFFF;
	_ =	strace $0x9FFFFFFF  }
0xc5: {  	(tm) =	ssettm $0x7FFFFFFF  }
tec
execute0_lowered:
.L_overlay_start_1:
0x0: {  	(tag) =	ssettag $0x1  }
0x1: {  	s2 =	rddreg [dreg:$0x0]  }
0x2: {  	s7 =	rddreg [dreg:$0x1]  }
0x3: {  	s8 =	rddreg [dreg:$0x2]  }
0x4: {  	s4 =	rddreg [dreg:$0x3]  }
0x5: {  	s0 =	rddreg [dreg:$0x4]  }
0x6: {  	s1 =	stileid.u32;
	s9 =	simm.s32 $0x0;
	s11 =	simm.s32 $0x80  }
0x7: {  	s12 =	simm.s32 $0x200;
	s3 =	sshrl.u32 s1, $0x2;
	s6 =	sand.u32 $0x3, s1  }
0x8: {  	s24 =	simm.s32 $0x400;
	s5 =	sshll.u32 s3, $0x4;
	s10 =	sshll.u32 s6, $0x9  }
0x9: {  	[smem:$0x7FF] =	sst s9;
	p0 =	seq.s32 s6, $0x0;
	s10 =	sor.u32 s5, s10  }
0xa: {  	_ =	strace $0x80000047;
	p1 =	sne.s32 @!p0 s6, $0x1;
	s7 =	sadd.s32 s7, s10  }
0xb: {  	[tilespmem:s9], [sflag:$0x1] =	stream.strided.gather [hbm4b:s7+s11], $0x400, s12, s11, $0x38;
	[tilespmem:$0x1000] =	vst v63  }
0xc: {  	s23 =	sadd.s32 s8, s10;
	p1 =	por p1, p0;
	s7 =	simm.s32 @p0 $0x0  }
0xd: {  	s8 =	sshll.u32 @!p1 s3, $0x13;
	s9 =	simm.s32 @!p1 $0x400;
	s10 =	simm.s32 @!p1 $0x800  }
0xe: {  	[tilespmem:s24], [sflag:$0x2] =	stream.strided.gather [hbm4b:s23+s11], $0x400, s12, s11, $0x38;
	[tilespmem:$0x1000] =	vst v63  }
0xf: {  	[smem:$0x0] =	sst @p0 s7;
	s7 =	sadd.s32 @!p1 s2, s8;
	s8 =	simm.s32 @!p1 $0x80  }
0x10: {  	[tilespmem:s10], [sflag:$0x3] =	stream.strided.gather @!p1 [hbm4b:s7+s8], $0x400, s9, s8, $0x38;
	[tilespmem:$0x1000] =	vst v63  }
0x11: {  	s25 =	simm.s32 $0x1;
	[bflag:$0x0] =	sbarrier.arrive $0xFFFF  }
0x12: {  	_ =	swait.ge [sflag:s25], $0x400  }
0x13: {  	[sflag:s25] =	ssyncset.done $0x0  }
0x14: {  	s26 =	simm.s32 $0x2;
	[sflag:s25] =	ssyncadd.s32 $0xFFFFFC00  }
0x15: {  	_ =	swait.ge [sflag:s26], $0x400  }
0x16: {  	[sflag:s26] =	ssyncset.done $0x0  }
0x17: {  	[sflag:s26] =	ssyncadd.s32 $0xFFFFFC00  }
0x18: {  	v0 =	vld [tilespmem:$0x0]  }
0x19: {  	v1 =	vld [tilespmem:$0x400]  }
0x1a: {  	v2 =	vld [tilespmem:$0x10]  }
0x1b: {  	v3 =	vld [tilespmem:$0x410]  }
0x1c: {  	v4 =	vld [tilespmem:$0x20]  }
0x1d: {  	v5 =	vld [tilespmem:$0x420]  }
0x1e: {  	v6 =	vld [tilespmem:$0x30]  }
0x1f: {  	v7 =	vld [tilespmem:$0x430]  }
0x20: {  	v8 =	vld [tilespmem:$0x40]  }
0x21: {  	v9 =	vld [tilespmem:$0x440]  }
0x22: {  	v10 =	vld [tilespmem:$0x50]  }
0x23: {  	v11 =	vld [tilespmem:$0x450]  }
0x24: {  	v12 =	vld [tilespmem:$0x60]  }
0x25: {  	v13 =	vld [tilespmem:$0x460]  }
0x26: {  	v14 =	vld [tilespmem:$0x70]  }
0x27: {  	v15 =	vld [tilespmem:$0x470]  }
0x28: {  	v16 =	vld [tilespmem:$0x80]  }
0x29: {  	v17 =	vld [tilespmem:$0x480]  }
0x2a: {  	v18 =	vld [tilespmem:$0x90]  }
0x2b: {  	v19 =	vld [tilespmem:$0x490]  }
0x2c: {  	v20 =	vld [tilespmem:$0xA0]  }
0x2d: {  	v21 =	vld [tilespmem:$0x4A0]  }
0x2e: {  	v22 =	vld [tilespmem:$0xB0]  }
0x2f: {  	v23 =	vld [tilespmem:$0x4B0]  }
0x30: {  	v24 =	vld [tilespmem:$0xC0]  }
0x31: {  	v25 =	vld [tilespmem:$0x4C0]  }
0x32: {  	v26 =	vld [tilespmem:$0xD0]  }
0x33: {  	v27 =	vld [tilespmem:$0x4D0]  }
0x34: {  	v28 =	vld [tilespmem:$0xE0]  }
0x35: {  	v29 =	vld [tilespmem:$0x4E0]  }
0x36: {  	v30 =	vld [tilespmem:$0xF0]  }
0x37: {  	v31 =	vld [tilespmem:$0x4F0]  }
0x38: {  	v32 =	vld [tilespmem:$0x100]  }
0x39: {  	v33 =	vld [tilespmem:$0x500]  }
0x3a: {  	v34 =	vld [tilespmem:$0x110]  }
0x3b: {  	v35 =	vld [tilespmem:$0x510]  }
0x3c: {  	v36 =	vld [tilespmem:$0x120]  }
0x3d: {  	v37 =	vld [tilespmem:$0x520]  }
0x3e: {  	v38 =	vld [tilespmem:$0x130]  }
0x3f: {  	v39 =	vld [tilespmem:$0x530]  }
0x40: {  	v40 =	vld [tilespmem:$0x140]  }
0x41: {  	v62 =	vld [tilespmem:$0x1F0]  }
0x42: {  	v41 =	vld [tilespmem:$0x540]  }
0x43: {  	v42 =	vld [tilespmem:$0x150]  }
0x44: {  	v43 =	vld [tilespmem:$0x550]  }
0x45: {  	v44 =	vld [tilespmem:$0x160]  }
0x46: {  	[tilespmem:$0x1FF80] =	vst v62;
	v62 =	vld [tilespmem:$0x200]  }
0x47: {  	v45 =	vld [tilespmem:$0x560]  }
0x48: {  	v46 =	vld [tilespmem:$0x170]  }
0x49: {  	v47 =	vld [tilespmem:$0x570]  }
0x4a: {  	v48 =	vld [tilespmem:$0x180]  }
0x4b: {  	[tilespmem:$0x1FF90] =	vst v62;
	v62 =	vld [tilespmem:$0x600]  }
0x4c: {  	v49 =	vld [tilespmem:$0x580]  }
0x4d: {  	v50 =	vld [tilespmem:$0x190]  }
0x4e: {  	v51 =	vld [tilespmem:$0x590]  }
0x4f: {  	v52 =	vld [tilespmem:$0x1A0]  }
0x50: {  	[tilespmem:$0x1FFA0] =	vst v62;
	v62 =	vld [tilespmem:$0x210]  }
0x51: {  	v53 =	vld [tilespmem:$0x5A0]  }
0x52: {  	v54 =	vld [tilespmem:$0x1B0]  }
0x53: {  	v55 =	vld [tilespmem:$0x5B0]  }
0x54: {  	v56 =	vld [tilespmem:$0x1C0]  }
0x55: {  	[tilespmem:$0x1FFB0] =	vst v62;
	v62 =	vld [tilespmem:$0x610]  }
0x56: {  	v57 =	vld [tilespmem:$0x5C0]  }
0x57: {  	v58 =	vld [tilespmem:$0x1D0]  }
0x58: {  	v59 =	vld [tilespmem:$0x5D0]  }
0x59: {  	v60 =	vld [tilespmem:$0x1E0]  }
0x5a: {  	[tilespmem:$0x1FFC0] =	vst v62;
	v62 =	vld [tilespmem:$0x220]  }
0x5b: {  	v61 =	vld [tilespmem:$0x5E0]  }
0x5c: {  	v63 =	vld [tilespmem:$0x5F0]  }
0x5d: {  	v0 =	vxor.u32 v0, v1;
	v1 =	vld [tilespmem:$0x240]  }
0x5e: {  	v9 =	vxor.u32 v8, v9;
	v8 =	vld [tilespmem:$0x270]  }
0x5f: {  	[tilespmem:$0x1FFD0] =	vst v62;
	v62 =	vld [tilespmem:$0x620]  }
0x60: {  	v11 =	vxor.u32 v10, v11;
	v10 =	vld [tilespmem:$0x280]  }
0x61: {  	v13 =	vxor.u32 v12, v13;
	v12 =	vld [tilespmem:$0x290]  }
0x62: {  	v15 =	vxor.u32 v14, v15;
	v14 =	vld [tilespmem:$0x2A0]  }
0x63: {  	v17 =	vxor.u32 v16, v17;
	v16 =	vld [tilespmem:$0x2B0]  }
0x64: {  	[tilespmem:$0x1FFE0] =	vst v62;
	v62 =	vld [tilespmem:$0x230]  }
0x65: {  	v19 =	vxor.u32 v18, v19;
	v18 =	vld [tilespmem:$0x2C0]  }
0x66: {  	v21 =	vxor.u32 v20, v21;
	v20 =	vld [tilespmem:$0x2D0]  }
0x67: {  	v23 =	vxor.u32 v22, v23;
	v22 =	vld [tilespmem:$0x2E0]  }
0x68: {  	v25 =	vxor.u32 v24, v25;
	v24 =	vld [tilespmem:$0x2F0]  }
0x69: {  	v27 =	vxor.u32 v26, v27;
	v26 =	vld [tilespmem:$0x300];
	[tilespmem:$0x1FFF0] =	vst v62;
	v62 =	vxor.u32 v2, v3  }
0x6a: {  	v37 =	vxor.u32 v36, v37;
	v36 =	vld [tilespmem:$0x1FF80];
	v3 =	vxor.u32 v4, v5;
	v0 =	vadd.s32 v0, v62  }
0x6b: {  	v29 =	vxor.u32 v28, v29;
	v28 =	vld [tilespmem:$0x310];
	v62 =	vxor.u32 v6, v7;
	v0 =	vadd.s32 v3, v0  }
0x6c: {  	v31 =	vxor.u32 v30, v31;
	v30 =	vld [tilespmem:$0x320];
	v0 =	vadd.s32 v62, v0  }
0x6d: {  	v45 =	vxor.u32 v44, v45;
	v44 =	vld [tilespmem:$0x340];
	v0 =	vadd.s32 v9, v0  }
0x6e: {  	v47 =	vxor.u32 v46, v47;
	v46 =	vld [tilespmem:$0x740];
	v0 =	vadd.s32 v11, v0  }
0x6f: {  	v33 =	vxor.u32 v32, v33;
	v32 =	vxor.u32 v36, v63;
	v63 =	vld [tilespmem:$0x390];
	v0 =	vadd.s32 v13, v0  }
0x70: {  	v39 =	vxor.u32 v38, v39;
	v38 =	vld [tilespmem:$0x1FFA0];
	v0 =	vadd.s32 v15, v0  }
0x71: {  	v41 =	vxor.u32 v40, v41;
	v40 =	vld [tilespmem:$0x1FFC0];
	v0 =	vadd.s32 v17, v0  }
0x72: {  	v43 =	vxor.u32 v42, v43;
	v42 =	vld [tilespmem:$0x1FFD0];
	v0 =	vadd.s32 v19, v0  }
0x73: {  	v2 =	vld [tilespmem:$0x630];
	v0 =	vadd.s32 v21, v0  }
0x74: {  	v4 =	vld [tilespmem:$0x250];
	v0 =	vadd.s32 v23, v0  }
0x75: {  	v5 =	vld [tilespmem:$0x650];
	v0 =	vadd.s32 v25, v0  }
0x76: {  	v6 =	vld [tilespmem:$0x260];
	v0 =	vadd.s32 v27, v0  }
0x77: {  	v7 =	vld [tilespmem:$0x660];
	v0 =	vadd.s32 v29, v0  }
0x78: {  	v3 =	vld [tilespmem:$0x640];
	v0 =	vadd.s32 v31, v0  }
0x79: {  	v35 =	vxor.u32 v34, v35;
	v62 =	vxor.u32 v60, v61;
	v61 =	vld [tilespmem:$0x780];
	v0 =	vadd.s32 v33, v0  }
0x7a: {  	v9 =	vld [tilespmem:$0x670];
	v0 =	vadd.s32 v35, v0  }
0x7b: {  	v11 =	vld [tilespmem:$0x680];
	v0 =	vadd.s32 v37, v0  }
0x7c: {  	v13 =	vld [tilespmem:$0x690];
	v0 =	vadd.s32 v39, v0  }
0x7d: {  	v15 =	vld [tilespmem:$0x6A0];
	v0 =	vadd.s32 v41, v0  }
0x7e: {  	v17 =	vld [tilespmem:$0x6B0];
	v0 =	vadd.s32 v43, v0  }
0x7f: {  	v19 =	vld [tilespmem:$0x6C0];
	v0 =	vadd.s32 v45, v0  }
0x80: {  	v49 =	vxor.u32 v48, v49;
	v21 =	vld [tilespmem:$0x6D0];
	v0 =	vadd.s32 v47, v0  }
0x81: {  	v51 =	vxor.u32 v50, v51;
	v23 =	vld [tilespmem:$0x6E0];
	v0 =	vadd.s32 v49, v0  }
0x82: {  	v53 =	vxor.u32 v52, v53;
	v25 =	vld [tilespmem:$0x6F0];
	v0 =	vadd.s32 v51, v0  }
0x83: {  	v55 =	vxor.u32 v54, v55;
	v37 =	vld [tilespmem:$0x1FF90];
	v0 =	vadd.s32 v53, v0  }
0x84: {  	v57 =	vxor.u32 v56, v57;
	v39 =	vld [tilespmem:$0x1FFB0];
	v0 =	vadd.s32 v55, v0  }
0x85: {  	v59 =	vxor.u32 v58, v59;
	v43 =	vld [tilespmem:$0x1FFE0];
	v0 =	vadd.s32 v57, v0  }
0x86: {  	v45 =	vld [tilespmem:$0x1FFF0];
	v0 =	vadd.s32 v59, v0  }
0x87: {  	v27 =	vld [tilespmem:$0x700];
	v0 =	vadd.s32 v62, v0  }
0x88: {  	v29 =	vld [tilespmem:$0x710];
	v33 =	vxor.u32 v37, v38;
	v0 =	vadd.s32 v32, v0  }
0x89: {  	v31 =	vld [tilespmem:$0x720];
	v34 =	vxor.u32 v39, v40;
	v0 =	vadd.s32 v33, v0  }
0x8a: {  	v20 =	vxor.u32 v20, v21;
	v21 =	vld [tilespmem:$0x790];
	v35 =	vxor.u32 v42, v43;
	v0 =	vadd.s32 v34, v0  }
0x8b: {  	v22 =	vxor.u32 v22, v23;
	v23 =	vld [tilespmem:$0x3A0];
	v2 =	vxor.u32 v45, v2;
	v0 =	vadd.s32 v35, v0  }
0x8c: {  	v1 =	vxor.u32 v1, v3;
	v24 =	vxor.u32 v24, v25;
	v25 =	vld [tilespmem:$0x7A0];
	v0 =	vadd.s32 v2, v0  }
0x8d: {  	v48 =	vxor.u32 v4, v5;
	v26 =	vxor.u32 v26, v27;
	v27 =	vld [tilespmem:$0x3B0];
	v0 =	vadd.s32 v1, v0  }
0x8e: {  	v50 =	vxor.u32 v6, v7;
	v28 =	vxor.u32 v28, v29;
	v29 =	vld [tilespmem:$0x7B0];
	v0 =	vadd.s32 v48, v0  }
0x8f: {  	v52 =	vxor.u32 v8, v9;
	v41 =	vld [tilespmem:$0x730];
	v0 =	vadd.s32 v50, v0  }
0x90: {  	v54 =	vxor.u32 v10, v11;
	v47 =	vld [tilespmem:$0x350];
	v0 =	vadd.s32 v52, v0  }
0x91: {  	v56 =	vxor.u32 v12, v13;
	v49 =	vld [tilespmem:$0x750];
	v0 =	vadd.s32 v54, v0  }
0x92: {  	v58 =	vxor.u32 v14, v15;
	v51 =	vld [tilespmem:$0x360];
	v0 =	vadd.s32 v56, v0  }
0x93: {  	v60 =	vxor.u32 v16, v17;
	v53 =	vld [tilespmem:$0x760];
	v0 =	vadd.s32 v58, v0  }
0x94: {  	v42 =	vld [tilespmem:$0x3F0];
	v62 =	vxor.u32 v18, v19;
	v0 =	vadd.s32 v60, v0  }
0x95: {  	v55 =	vld [tilespmem:$0x370];
	v0 =	vadd.s32 v62, v0  }
0x96: {  	v32 =	vld [tilespmem:$0x330];
	v0 =	vadd.s32 v20, v0  }
0x97: {  	v45 =	vld [tilespmem:$0x7F0];
	v0 =	vadd.s32 v22, v0  }
0x98: {  	v57 =	vld [tilespmem:$0x770];
	v0 =	vadd.s32 v24, v0  }
0x99: {  	v30 =	vxor.u32 v30, v31;
	v31 =	vld [tilespmem:$0x3C0];
	v0 =	vadd.s32 v26, v0  }
0x9a: {  	v43 =	vxor.u32 v23, v25;
	v59 =	vld [tilespmem:$0x380];
	v0 =	vadd.s32 v28, v0  }
0x9b: {  	v3 =	vxor.u32 v51, v53;
	v33 =	vld [tilespmem:$0x7C0];
	v32 =	vxor.u32 v32, v41;
	v0 =	vadd.s32 v30, v0  }
0x9c: {  	v36 =	vld [tilespmem:$0x7D0];
	v4 =	vxor.u32 v42, v45;
	v34 =	vxor.u32 v44, v46;
	v0 =	vadd.s32 v32, v0  }
0x9d: {  	v38 =	vxor.u32 v55, v57;
	v35 =	vld [tilespmem:$0x3D0];
	v1 =	vxor.u32 v47, v49;
	v0 =	vadd.s32 v34, v0  }
0x9e: {  	v44 =	vxor.u32 v27, v29;
	v55 =	vimm.s32 $0xDCFE98BA;
	v0 =	vadd.s32 v1, v0  }
0x9f: {  	v40 =	vxor.u32 v59, v61;
	v41 =	vxor.u32 v63, v21;
	v0 =	vadd.s32 v3, v0  }
0xa0: {  	v37 =	vld [tilespmem:$0x3E0];
	v47 =	vimm.s32 $0xFEDCBA98;
	v46 =	vxor.u32 v31, v33;
	v0 =	vadd.s32 v38, v0  }
0xa1: {  	v39 =	vld [tilespmem:$0x7E0];
	v48 =	vimm.s32 $0x76543210;
	v6 =	vunpack.c.l.s4.s8 v47;
	v0 =	vadd.s32 v40, v0  }
0xa2: {  	v7 =	vunpack.c.l.s4.s8 v48;
	v2 =	vxor.u32 v35, v36;
	v0 =	vadd.s32 v41, v0  }
0xa3: {  	v49 =	vunpack.c.0.s8.s32 v6;
	v52 =	vimm.s32 $0xBA98FEDC;
	v0 =	vadd.s32 v43, v0  }
0xa4: {  	v50 =	vunpack.c.0.s8.s32 v7;
	v53 =	vunpack.c.l.s4.s8 v52;
	v0 =	vadd.s32 v44, v0  }
0xa5: {  	v54 =	vimm.s32 $0x32107654;
	v51 =	vand.u32 $0xF, v49;
	v0 =	vadd.s32 v46, v0  }
0xa6: {  	v1 =	vxor.u32 v37, v39;
	v3 =	vunpack.c.l.s4.s8 v54;
	v0 =	vadd.s32 v2, v0  }
0xa7: {  	v56 =	vimm.s32 $0x54761032;
	v0 =	vadd.s32 v1, v0;
	v1 =	vcombine.low v51, v50  }
0xa8: {  	v3 =	vunpack.c.0.s8.s32 v3;
	v2 =	vunpack.c.0.s8.s32 v53;
	v0 =	vadd.s32 v4, v0  }
0xa9: {  	v5 =	vunpack.c.l.s4.s8 v56;
	v4 =	vunpack.c.l.s4.s8 v55;
	v1 =	vperm.xlane v0, v1  }
0xaa: {  	v61 =	vimm.s32 $0x67452301;
	v60 =	vimm.s32 $0xEFCDAB89;
	v57 =	vcombine.low v3, v2  }
0xab: {  	v59 =	vunpack.c.0.s8.s32 v5;
	v58 =	vunpack.c.0.s8.s32 v4;
	v0 =	vadd.s32 v1, v0  }
0xac: {  	v5 =	vunpack.c.l.s4.s8 v61;
	v4 =	vunpack.c.l.s4.s8 v60;
	v1 =	vperm.xlane v0, v57  }
0xad: {  	v2 =	vcombine.low v59, v58  }
0xae: {  	v63 =	vunpack.c.0.s8.s32 v5;
	v62 =	vunpack.c.0.s8.s32 v4;
	v0 =	vadd.s32 v1, v0  }
0xaf: {  	v2 =	vperm.xlane v0, v2  }
0xb0: {  	v1 =	vcombine.low v63, v62  }
0xb1: {  	v0 =	vadd.s32 v2, v0  }
0xb2: {  	v1 =	vperm.xlane v0, v1;
	_ =	sdelay $0x1  }
0xb3: {  	v0 =	vadd.s32 v1, v0  }
0xb4: {  	(v2sf) =	vpush v0, $0x0;
	_ =	sdelay $0xe  }
0xb5: {  	s28 =	spop (v2sf)  }
0xb6: {  	s30 =	simm.s32 $0x5;
	s29 =	sand.u32 $0xC, s1;
	s7 =	sshll.u32 s28, $0x4  }
0xb7: {  	s8 =	sshll.u32 s29, $0x10;
	[sflag:s30] =	ssyncset.done $0x0;
	s7 =	sor.u32 $0x1, s7  }
0xb8: {  	[smem:s8], [sflag:$0x5] =	smem.add.s32 s7  }
0xb9: {  	_ =	swait.done [sflag:s30]  }
0xba: {  	s8 =	ssyncread [sflag:$0x5];
	_ =	sdelay $0x2  }
0xbb: {  	s31 =	sand.u32 $0xF, s8  }
0xbc: {  	s4 =	sadd.s32 s4, s5;
	p1 =	sne.s32 s6, $0x1;
	p0 =	sne.s32 s31, $0x3  }
0xbd: {  	s5 =	simm.s32 @!p1 $0x80;
	[sflag:s30] =	ssyncset.s32 $0x0;
	s6 =	sadd.s32 @!p0 s7, s8  }
0xbe: {  	[sflag:s30] =	ssyncset.done $0x0;
	s7 =	simm.s32 @!p1 $0x3;
	s6 =	sshra.s32 @!p0 s6, $0x4  }
0xbf: {  	s9 =	simm.s32 @!p1 $0x800;
	_ =	swait.ge @!p1 [sflag:s7], $0x400;
	p2 =	slt.s32 @!p0 s6, $0x1  }
0xc0: {  	s8 =	simm.s32 @!p0 $0xFFF;
	[sflag:s7] =	ssyncset.done @!p1 $0x0;
	p2 =	por !p2, p0  }
0xc1: {  	[sflag:s7] =	ssyncadd.s32 @!p1 $0xFFFFFC00;
	s7 =	simm.s32 @!p1 $0x200;
	s8 =	simm.s32 @p2 $0xFFFFFFFF  }
0xc2: {  	[hbm4b:s4+s5] =	stream.strided.scatter @!p1 [tilespmem:s9], [sflag:$0x6], $0x400, s7, s5, $0x38;
	[tilespmem:$0x1000] =	vst v63  }
0xc3: {  	s5 =	sadd.s32 @!p0 s6, s8  }
0xc4: {  	s3 =	sshll.u32 s3, $0x16;
	s6 =	sshll.u32 @!p0 s5, $0xA  }
0xc5: {  	s7 =	simm.s32 @!p1 $0x6;
	s5 =	sshll.u32 @!p0 s5, $0x7;
	s6 =	sand.u32 @!p0 $0xFFFFE000, s6  }
0xc6: {  	_ =	swait.ge @!p1 [sflag:s7], $0x400;
	s5 =	sand.u32 @!p0 $0x380, s5;
	s3 =	sadd.s32 @!p0 s3, s6  }
0xc7: {  	[sflag:s7] =	ssyncset.done @!p1 $0x0;
	s3 =	sor.u32 @!p0 s5, s3  }
0xc8: {  	[sflag:s7] =	ssyncadd.s32 @!p1 $0xFFFFFC00;
	s6 =	simm.s32 @!p0 $0xC00;
	s3 =	sshrl.u32 @!p0 s3, $0x3  }
0xc9: {  	s5 =	simm.s32 @!p0 $0x400;
	s2 =	sadd.s32 @!p0 s2, s3;
	s3 =	simm.s32 @!p0 $0x80  }
0xca: {  	[tilespmem:s6], [sflag:$0x4] =	stream.strided.gather @!p0 [hbm4b:s2+s3], $0x400, s5, s3, $0x38;
	[tilespmem:$0x1000] =	vst v63  }
0xcb: {  	s2 =	simm.s32 @!p0 $0x4  }
0xcc: {  	_ =	swait.ge @!p0 [sflag:s2], $0x400  }
0xcd: {  	[sflag:s2] =	ssyncset.done @!p0 $0x0  }
0xce: {  	s4 =	sadd.s32 $0x200, s4;
	[sflag:s2] =	ssyncadd.s32 @!p0 $0xFFFFFC00;
	s2 =	simm.s32 @!p0 $0x200  }
0xcf: {  	[hbm4b:s4+s3] =	stream.strided.scatter @!p0 [tilespmem:s6], [sflag:$0x6], $0x400, s2, s3, $0x38;
	[tilespmem:$0x1000] =	vst v63  }
0xd0: {  	s2 =	simm.s32 @!p0 $0x6  }
0xd1: {  	_ =	swait.ge @!p0 [sflag:s2], $0x400  }
0xd2: {  	[sflag:s2] =	ssyncset.done @!p0 $0x0  }
0xd3: {  	[sflag:s2] =	ssyncadd.s32 @!p0 $0xFFFFFC00  }
0xd4: {  	_ =	sfence.sel $0x180000  }
0xd5: {  	[bflag:$0x0] =	sbarrier.arrive $0xFFFF  }
0xd6: {  	p0 =	sne.s32 s1, $0x0;
	_ =	strace $0x90000047  }
0xd7: {  	s0 =	sadd.s32 @!p0 $0x100000, s0;
	[bflag:$0x2] =	sbarrier.arrive $0xFFFF  }
0xd8: {  	[sflag:s0] =	ssyncadd.tile.s32 @!p0 $0x1;
	_ =	shalt  }
.Lfunc_end2:
_tile_overlayer_lowered:
.L_overlay_start_2:
0xd9: {  	(tag) =	ssettag $0x2  }
0xda: {  	s0 =	rddreg [dreg:$0x0];
	s2 =	stileid.u32  }
0xdb: {  	s1 =	rddreg [dreg:$0x1];
	p0 =	sne.s32 s2, $0x0  }
0xdc: {  	s3 =	rddreg [dreg:$0x2];
	[bflag:$0x3] =	sbarrier.arrive $0xFFFF;
	s2 =	simm.s32 @!p0 $0x1C05  }
0xdd: {  	[timem:s3], [sflag:s2] =	dma.local @!p0 [hbm:s0], s1  }
0xde: {  	s0 =	simm.s32 @!p0 $0x5  }
0xdf: {  	_ =	swait.ge @!p0 [sflag:s0], s1  }
0xe0: {  	s1 =	ssub.s32 @!p0 $0x0, s1;
	[sflag:s0] =	ssyncset.done @!p0 $0x0  }
0xe1: {  	[sflag:s0] =	ssyncadd.s32 @!p0 s1  }
0xe2: {  	[bflag:$0x3] =	sbarrier.arrive $0xFFFF  }
0xe3: {  	_ =	shalt  }

</sc_bundles>
